<compile_context>
chip_gen: v7x
topology: tpu7x:2x2x1
jax: 0.10.2.dev20260603
libtpu: 0.0.44.dev20260713+nightly
codegen_flags: <defaults>
</compile_context>

<pallas_src>
import functools

import jax
import jax.numpy as jnp
from jax import lax
from jax.experimental import pallas as pl
from jax.experimental.pallas import tpu as pltpu
from jax.experimental.pallas import tpu_sc as plsc

N = 50000
K = 16
NG = 32
DE = 12
DF = 64
DP = 64
NCATP = 48

CHUNK = 128
NTILES = 32
CPT = 13
NB = CPT * CHUNK
NP = NTILES * NB
BN = 512
NBLK = NP // BN


def _sc_gather_body(pcpack_hbm, nbrt_hbm, out_hbm, idx_v, rows_v, sem):
    info = plsc.get_sparse_core_info()
    nc = info.num_cores
    wid = lax.axis_index("s") * nc + lax.axis_index("c")
    base = wid * NB

    def kstep(k, carry):
        pltpu.sync_copy(nbrt_hbm.at[k, wid], idx_v)
        handles = [
            pltpu.async_copy(
                pcpack_hbm.at[idx_v.at[c]],
                rows_v.at[pl.ds(c * CHUNK, CHUNK)],
                sem,
            )
            for c in range(CPT)
        ]
        for h in handles:
            h.wait()
        pltpu.sync_copy(rows_v.at[:, 0:4], out_hbm.at[k, pl.ds(base, NB)])
        return carry

    lax.fori_loop(0, K, kstep, 0)


def _sc_gather(pcpack, nbrt3):
    mesh = plsc.VectorSubcoreMesh(core_axis_name="c", subcore_axis_name="s")
    kfn = functools.partial(
        pl.kernel,
        mesh=mesh,
        out_type=jax.ShapeDtypeStruct((K, NP, 4), jnp.float32),
        scratch_types=[
            pltpu.VMEM((CPT, CHUNK), jnp.int32),
            pltpu.VMEM((NB, 16), jnp.float32),
            pltpu.SemaphoreType.DMA,
        ],
        compiler_params=pltpu.CompilerParams(use_tc_tiling_on_sc=False),
    )(_sc_gather_body)
    return kfn(pcpack, nbrt3)


def _tc2_body(pcnb_ref, pct_ref, cen_ref, rsig_ref, tabt_ref, w1t_ref,
              w2t_ref, watt_ref, wft_ref, pooled_ref, sum_ref, sq_ref,
              ys_scr, lt_scr, acc_scr, acc2_scr):
    blk = pl.program_id(0)
    cen = cen_ref[...]
    rsig = rsig_ref[...]
    twt = jnp.dot(w2t_ref[...], tabt_ref[...],
                  preferred_element_type=jnp.float32)
    w1catt = jnp.concatenate([w1t_ref[...], twt], axis=1)
    watt = watt_ref[...]
    px = pct_ref[0:1, :]
    py = pct_ref[1:2, :]
    pz = pct_ref[2:3, :]
    cat_iota = lax.broadcasted_iota(jnp.int32, (NCATP, BN), 0).astype(
        jnp.float32)

    for k in range(K):
        X = pcnb_ref[k, 0].reshape(1, BN)
        Y = pcnb_ref[k, 1].reshape(1, BN)
        Z = pcnb_ref[k, 2].reshape(1, BN)
        A = pcnb_ref[k, 3].reshape(1, BN)
        rx = X - px
        ry = Y - py
        rz = Z - pz
        dd = jnp.sqrt(rx * rx + ry * ry + rz * rz + 1e-6)
        t = (dd - cen) * rsig
        g = jnp.exp(-0.5 * (t * t))
        oh = (A == cat_iota).astype(jnp.float32)
        h = jnp.concatenate([g, oh], axis=0)
        y = jnp.maximum(jnp.dot(w1catt, h,
                                preferred_element_type=jnp.float32), 0.0)
        ys_scr[:, k * BN:(k + 1) * BN] = y
        lt_scr[k:k + 1, :] = jnp.dot(watt, y,
                                     preferred_element_type=jnp.float32)

    logits = lt_scr[...]
    m = jnp.max(logits, axis=0, keepdims=True)
    e = jnp.exp(logits - m)
    a = e / jnp.sum(e, axis=0, keepdims=True)

    ybar = jnp.zeros((DF, BN), jnp.float32)
    for k in range(K):
        ybar = ybar + a[k:k + 1, :] * ys_scr[:, k * BN:(k + 1) * BN]
    pooled = jnp.dot(wft_ref[...], ybar,
                     preferred_element_type=jnp.float32)

    cols = blk * BN + lax.broadcasted_iota(jnp.int32, (1, BN), 1)
    msk = (cols < N).astype(jnp.float32)
    pm = pooled * msk
    pooled_ref[...] = pm

    @pl.when(blk == 0)
    def _():
        acc_scr[...] = jnp.zeros_like(acc_scr)
        acc2_scr[...] = jnp.zeros_like(acc2_scr)

    acc_scr[...] += pm
    acc2_scr[...] += pm * pm

    @pl.when(blk == NBLK - 1)
    def _():
        sum_ref[...] = jnp.broadcast_to(
            jnp.sum(acc_scr[...], axis=1, keepdims=True), (DP, 128))
        sq_ref[...] = jnp.broadcast_to(
            jnp.sum(acc2_scr[...], axis=1, keepdims=True), (DP, 128))


def _tc2_main(pcnb, pct, cen, rsig, tabt, w1t, w2t, watt, wft):
    return pl.pallas_call(
        _tc2_body,
        grid=(NBLK,),
        in_specs=[
            pl.BlockSpec((K, 4, BN), lambda i: (0, 0, i)),
            pl.BlockSpec((8, BN), lambda i: (0, i)),
            pl.BlockSpec((NG, 1), lambda i: (0, 0)),
            pl.BlockSpec((NG, 1), lambda i: (0, 0)),
            pl.BlockSpec((DE, NCATP), lambda i: (0, 0)),
            pl.BlockSpec((DF, NG), lambda i: (0, 0)),
            pl.BlockSpec((DF, DE), lambda i: (0, 0)),
            pl.BlockSpec((1, DF), lambda i: (0, 0)),
            pl.BlockSpec((DP, DF), lambda i: (0, 0)),
        ],
        out_specs=[
            pl.BlockSpec((DP, BN), lambda i: (0, i)),
            pl.BlockSpec((DP, 128), lambda i: (0, 0)),
            pl.BlockSpec((DP, 128), lambda i: (0, 0)),
        ],
        out_shape=[
            jax.ShapeDtypeStruct((DP, NP), jnp.float32),
            jax.ShapeDtypeStruct((DP, 128), jnp.float32),
            jax.ShapeDtypeStruct((DP, 128), jnp.float32),
        ],
        scratch_shapes=[
            pltpu.VMEM((DF, K * BN), jnp.float32),
            pltpu.VMEM((K, BN), jnp.float32),
            pltpu.VMEM((DP, BN), jnp.float32),
            pltpu.VMEM((DP, BN), jnp.float32),
        ],
    )(pcnb, pct, cen, rsig, tabt, w1t, w2t, watt, wft)


def _tc2_bn_body(pooled_ref, sum_ref, sq_ref, gam_ref, bet_ref, out_ref):
    mean = sum_ref[:, 0:1] / N
    var = sq_ref[:, 0:1] / N - mean * mean
    inv = lax.rsqrt(var + 1e-5)
    p = pooled_ref[...]
    o = jnp.maximum((p - mean) * inv * gam_ref[...] + bet_ref[...], 0.0)
    out_ref[...] = o.T


def _tc2_bn(pooled, s, sq, gam, bet):
    return pl.pallas_call(
        _tc2_bn_body,
        grid=(NBLK,),
        in_specs=[
            pl.BlockSpec((DP, BN), lambda i: (0, i)),
            pl.BlockSpec((DP, 128), lambda i: (0, 0)),
            pl.BlockSpec((DP, 128), lambda i: (0, 0)),
            pl.BlockSpec((DP, 1), lambda i: (0, 0)),
            pl.BlockSpec((DP, 1), lambda i: (0, 0)),
        ],
        out_specs=pl.BlockSpec((BN, DP), lambda i: (i, 0)),
        out_shape=jax.ShapeDtypeStruct((NP, DP), jnp.float32),
    )(pooled, s, sq, gam, bet)


def kernel(pc, table, centers, sigmas, W1, W2, W_att, W_feat, gamma, beta,
           attr_idx, nbr):
    aval = attr_idx.astype(jnp.float32)
    pcpack = jnp.concatenate([pc, aval[:, None]], axis=1)
    pcpack = jnp.pad(pcpack, ((0, NP - N), (0, 12)))

    nbrt = jnp.pad(nbr.astype(jnp.int32).T, ((0, 0), (0, NP - N)))
    nbrt3 = nbrt.reshape(K, NTILES, CPT, CHUNK)

    pcnb = _sc_gather(pcpack, nbrt3)
    pcnb_cm = jnp.transpose(pcnb, (0, 2, 1))

    pct = jnp.pad(pcpack[:, 0:4].T, ((0, 4), (0, 0)))
    tabp = jnp.pad(table, ((0, NCATP - table.shape[0]), (0, 0)))

    pooled, s, sq = _tc2_main(
        pcnb_cm, pct, centers.reshape(NG, 1), (1.0 / sigmas).reshape(NG, 1),
        tabp.T, W1.T, W2.T, W_att.reshape(1, DF), W_feat.T)

    out = _tc2_bn(pooled, s, sq, gamma.reshape(DP, 1), beta.reshape(DP, 1))
    return out[:N]

# --- scband reference (transcript-rebuilt; emitter-appended) ---
"""Pipeline reference for scband-s2-site-18090402250770 (READ-ONLY COPY).

The authoritative reference and input builder live on the scoring server;
editing this copy changes nothing except your own understanding.
"""

import jax, jax.numpy as jnp
import numpy as np

N = 50000
K = 16
NCAT = 38
DE = 12
NG = 32
DF = 64
DP = 64


def setup_inputs(seed: int = 0) -> dict:
    key = jax.random.key(seed)
    ks = jax.random.split(key, 12)
    pc = jax.random.normal(ks[0], (N, 3), dtype=jnp.float32) * 10.0
    attr_idx = jax.random.randint(ks[1], (N,), 0, NCAT + 1)
    nbr = jax.random.randint(ks[2], (N, K), 0, N)
    table = jax.random.normal(ks[3], (NCAT + 1, DE), dtype=jnp.float32) * 0.1
    centers = jnp.linspace(0.0, 10.0, NG).astype(jnp.float32)
    sigmas = jnp.ones((NG,), dtype=jnp.float32)
    W1 = jax.random.normal(ks[4], (NG, DF), dtype=jnp.float32) * 0.1
    W2 = jax.random.normal(ks[5], (DE, DF), dtype=jnp.float32) * 0.1
    W_att = jax.random.normal(ks[6], (DF, 1), dtype=jnp.float32) * 0.1
    W_feat = jax.random.normal(ks[7], (DF, DP), dtype=jnp.float32) * 0.1
    gamma = jnp.ones((DP,), dtype=jnp.float32)
    beta = jnp.zeros((DP,), dtype=jnp.float32)
    return {
        'pc': pc, 'table': table, 'centers': centers, 'sigmas': sigmas,
        'W1': W1, 'W2': W2, 'W_att': W_att, 'W_feat': W_feat,
        'gamma': gamma, 'beta': beta, 'attr_idx': attr_idx, 'nbr': nbr,
    }


def reference(pc, table, centers, sigmas, W1, W2, W_att, W_feat, gamma, beta, attr_idx, nbr):
    # 1) categorical attribute embedding (embeddings.embedding_initializer + embed_attr)
    attr = jnp.take(table, attr_idx, axis=0)                      # [N, DE]
    # 2) neighborhood gather (Neighborhood_Computation, K_neighbor=16)
    pc_nb = jnp.take(pc, nbr, axis=0)                             # [N, K, 3]
    rel = pc_nb - pc[:, None, :]                                  # local frame offsets
    d = jnp.sqrt(jnp.sum(rel * rel, axis=-1) + 1e-6)              # [N, K]
    # 3) Gaussian kernel neighborhood embedding (embeddings.GaussianKernel)
    g = jnp.exp(-0.5 * ((d[..., None] - centers) / sigmas) ** 2)  # [N, K, NG]
    nb_attr = jnp.take(attr, nbr, axis=0)                         # [N, K, DE]
    y = jax.nn.relu(g @ W1 + nb_attr @ W2)                        # [N, K, DF]
    # 4) attention pooling over the neighborhood (Attention_Layer)
    logits = (y @ W_att)[..., 0]                                  # [N, K]
    a = jax.nn.softmax(logits, axis=-1)                           # [N, K]
    f = y @ W_feat                                                # [N, K, DP]
    pooled = jnp.sum(a[..., None] * f, axis=1)                    # [N, DP]
    # 5) batch norm over the node axis + ReLU (MaskedBatchNorm1d + act)
    mean = jnp.mean(pooled, axis=0)
    var = jnp.var(pooled, axis=0)
    out = (pooled - mean) / jnp.sqrt(var + 1e-5) * gamma + beta
    return jax.nn.relu(out)

if __name__ == "__main__":
    import jax
    _d = setup_inputs()
    print(jax.jit(kernel)(*tuple(_d.values())))

</pallas_src>

<mosaic_0001>
#map = affine_map<(d0, d1) -> (0, 0)>
#map1 = affine_map<(d0, d1) -> (0, 0, 0, 0)>
#map2 = affine_map<(d0, d1) -> (0, 0, 0)>
module attributes {stable_mosaic.version = 14 : i64} {
  func.func @_sc_gather_body(%arg0: i32, %arg1: i32, %arg2: memref<53248x16xf32, #tpu.memory_space<hbm>>, %arg3: memref<16x32x13x128xi32, #tpu.memory_space<hbm>>, %arg4: memref<16x53248x4xf32, #tpu.memory_space<hbm>>, %arg5: memref<13x128xi32, #tpu.memory_space<vmem>>, %arg6: memref<1664x16xf32, #tpu.memory_space<vmem>>, %arg7: memref<!tpu.dma_semaphore, #tpu.memory_space<semaphore_mem>>) attributes {dimension_semantics = [#tpu.dimension_semantics<core_parallel>, #tpu.dimension_semantics<subcore_parallel>], iteration_bounds = array<i64: 2, 16>, scalar_prefetch = 0 : i64, scratch_operands = 3 : i64, tpu.core_type = #tpu.core_type<sc_vector_subcore>, window_params = [{transform_indices = #map}, {transform_indices = #map1}, {transform_indices = #map2}]} {
    %mul3A = arith.constant 2 : i32
    %mul3A_0 = arith.muli %arg1, %mul3A : i32
    %add3A = arith.addi %mul3A_0, %arg0 : i32
    %mul3A_1 = arith.constant 1664 : i32
    %mul3A_2 = arith.muli %add3A, %mul3A_1 : i32
    %scan3A = arith.constant 0 : i32
    %scan3A_3 = arith.constant 0 : i32
    %scan3A_4 = arith.constant 16 : i32
    %scan3A_5 = arith.addi %scan3A_3, %scan3A_4 : i32
    %scan3A_6 = arith.constant 1 : i32
    scf.for %scan3A_8 = %scan3A_3 to %scan3A_5 step %scan3A_6  : i32 {
      "tpu.region"() ({
        %run_scoped3A = tpu.sem_alloc : memref<!tpu.dma_semaphore, #tpu.memory_space<semaphore_mem>>
        %dma_start3A_267 = arith.constant 0 : i32
        %dma_start3A_268 = arith.constant 0 : i32
        %dma_start3A_269 = tpu.memref_slice %arg3[%scan3A_8, %add3A, %dma_start3A_267, %dma_start3A_268] : memref<16x32x13x128xi32, #tpu.memory_space<hbm>> -> memref<1x1x13x128xi32, #tpu.memory_space<hbm>>
        %dma_start3A_270 = tpu.memref_squeeze %dma_start3A_269 : memref<1x1x13x128xi32, #tpu.memory_space<hbm>> -> memref<13x128xi32, #tpu.memory_space<hbm>>
        %dma_start3A_271 = arith.constant 0 : i32
        %dma_start3A_272 = arith.constant 0 : i32
        %dma_start3A_273 = tpu.memref_slice %arg3[%scan3A_8, %add3A, %dma_start3A_271, %dma_start3A_272] : memref<16x32x13x128xi32, #tpu.memory_space<hbm>> -> memref<1x1x13x128xi32, #tpu.memory_space<hbm>>
        %dma_start3A_274 = tpu.memref_squeeze %dma_start3A_273 : memref<1x1x13x128xi32, #tpu.memory_space<hbm>> -> memref<13x128xi32, #tpu.memory_space<hbm>>
        tpu.enqueue_dma source(%dma_start3A_274 : memref<13x128xi32, #tpu.memory_space<hbm>>) target(%arg5 : memref<13x128xi32, #tpu.memory_space<vmem>>) target_semaphore(%run_scoped3A : memref<!tpu.dma_semaphore, #tpu.memory_space<semaphore_mem>>)
        %dma_wait3A_275 = arith.constant 0 : i32
        %dma_wait3A_276 = arith.constant 0 : i32
        %dma_wait3A_277 = tpu.memref_slice %arg3[%scan3A_8, %add3A, %dma_wait3A_275, %dma_wait3A_276] : memref<16x32x13x128xi32, #tpu.memory_space<hbm>> -> memref<1x1x13x128xi32, #tpu.memory_space<hbm>>
        %dma_wait3A_278 = tpu.memref_squeeze %dma_wait3A_277 : memref<1x1x13x128xi32, #tpu.memory_space<hbm>> -> memref<13x128xi32, #tpu.memory_space<hbm>>
        %dma_wait3A_279 = arith.constant 0 : i32
        %dma_wait3A_280 = arith.constant 0 : i32
        %dma_wait3A_281 = tpu.memref_slice %arg3[%scan3A_8, %add3A, %dma_wait3A_279, %dma_wait3A_280] : memref<16x32x13x128xi32, #tpu.memory_space<hbm>> -> memref<1x1x13x128xi32, #tpu.memory_space<hbm>>
        %dma_wait3A_282 = tpu.memref_squeeze %dma_wait3A_281 : memref<1x1x13x128xi32, #tpu.memory_space<hbm>> -> memref<13x128xi32, #tpu.memory_space<hbm>>
        tpu.wait_dma2 semaphore(%run_scoped3A : memref<!tpu.dma_semaphore, #tpu.memory_space<semaphore_mem>>) src(%dma_wait3A_282 : memref<13x128xi32, #tpu.memory_space<hbm>>) dst(%arg5 : memref<13x128xi32, #tpu.memory_space<vmem>>)
        tpu.yield
      }) : () -> ()
      %dma_start3A = arith.constant 0 : i32
      %dma_start3A_9 = arith.constant 0 : i32
      %dma_start3A_10 = arith.constant 0 : i32
      %dma_start3A_11 = tpu.memref_slice %arg6[%dma_start3A_9, %dma_start3A_10] : memref<1664x16xf32, #tpu.memory_space<vmem>> -> memref<128x16xf32, #tpu.memory_space<vmem>>
      %dma_start3A_12 = arith.constant 0 : i32
      %dma_start3A_13 = tpu.memref_slice %arg5[%dma_start3A, %dma_start3A_12] : memref<13x128xi32, #tpu.memory_space<vmem>> -> memref<1x128xi32, #tpu.memory_space<vmem>>
      %dma_start3A_14 = tpu.memref_squeeze %dma_start3A_13 : memref<1x128xi32, #tpu.memory_space<vmem>> -> memref<128xi32, #tpu.memory_space<vmem>>
      %dma_start3A_15 = arith.constant 0 : i32
      %dma_start3A_16 = arith.constant 0 : i32
      %dma_start3A_17 = tpu.memref_slice %arg2[%dma_start3A_15, %dma_start3A_16] : memref<53248x16xf32, #tpu.memory_space<hbm>> -> memref<53248x16xf32, #tpu.memory_space<hbm>>
      tpu.enqueue_indirect_dma source(%dma_start3A_17 : memref<53248x16xf32, #tpu.memory_space<hbm>>) target(%dma_start3A_11 : memref<128x16xf32, #tpu.memory_space<vmem>>) offsets(%dma_start3A_14 : memref<128xi32, #tpu.memory_space<vmem>>) semaphore(%arg7 : memref<!tpu.dma_semaphore, #tpu.memory_space<semaphore_mem>>)
      %dma_start3A_18 = arith.constant 1 : i32
      %dma_start3A_19 = arith.constant 128 : i32
      %dma_start3A_20 = arith.constant 0 : i32
      %dma_start3A_21 = tpu.memref_slice %arg6[%dma_start3A_19, %dma_start3A_20] : memref<1664x16xf32, #tpu.memory_space<vmem>> -> memref<128x16xf32, #tpu.memory_space<vmem>>
      %dma_start3A_22 = arith.constant 0 : i32
      %dma_start3A_23 = tpu.memref_slice %arg5[%dma_start3A_18, %dma_start3A_22] : memref<13x128xi32, #tpu.memory_space<vmem>> -> memref<1x128xi32, #tpu.memory_space<vmem>>
      %dma_start3A_24 = tpu.memref_squeeze %dma_start3A_23 : memref<1x128xi32, #tpu.memory_space<vmem>> -> memref<128xi32, #tpu.memory_space<vmem>>
      %dma_start3A_25 = arith.constant 0 : i32
      %dma_start3A_26 = arith.constant 0 : i32
      %dma_start3A_27 = tpu.memref_slice %arg2[%dma_start3A_25, %dma_start3A_26] : memref<53248x16xf32, #tpu.memory_space<hbm>> -> memref<53248x16xf32, #tpu.memory_space<hbm>>
      tpu.enqueue_indirect_dma source(%dma_start3A_27 : memref<53248x16xf32, #tpu.memory_space<hbm>>) target(%dma_start3A_21 : memref<128x16xf32, #tpu.memory_space<vmem>>) offsets(%dma_start3A_24 : memref<128xi32, #tpu.memory_space<vmem>>) semaphore(%arg7 : memref<!tpu.dma_semaphore, #tpu.memory_space<semaphore_mem>>)
      %dma_start3A_28 = arith.constant 2 : i32
      %dma_start3A_29 = arith.constant 256 : i32
      %dma_start3A_30 = arith.constant 0 : i32
      %dma_start3A_31 = tpu.memref_slice %arg6[%dma_start3A_29, %dma_start3A_30] : memref<1664x16xf32, #tpu.memory_space<vmem>> -> memref<128x16xf32, #tpu.memory_space<vmem>>
      %dma_start3A_32 = arith.constant 0 : i32
      %dma_start3A_33 = tpu.memref_slice %arg5[%dma_start3A_28, %dma_start3A_32] : memref<13x128xi32, #tpu.memory_space<vmem>> -> memref<1x128xi32, #tpu.memory_space<vmem>>
      %dma_start3A_34 = tpu.memref_squeeze %dma_start3A_33 : memref<1x128xi32, #tpu.memory_space<vmem>> -> memref<128xi32, #tpu.memory_space<vmem>>
      %dma_start3A_35 = arith.constant 0 : i32
      %dma_start3A_36 = arith.constant 0 : i32
      %dma_start3A_37 = tpu.memref_slice %arg2[%dma_start3A_35, %dma_start3A_36] : memref<53248x16xf32, #tpu.memory_space<hbm>> -> memref<53248x16xf32, #tpu.memory_space<hbm>>
      tpu.enqueue_indirect_dma source(%dma_start3A_37 : memref<53248x16xf32, #tpu.memory_space<hbm>>) target(%dma_start3A_31 : memref<128x16xf32, #tpu.memory_space<vmem>>) offsets(%dma_start3A_34 : memref<128xi32, #tpu.memory_space<vmem>>) semaphore(%arg7 : memref<!tpu.dma_semaphore, #tpu.memory_space<semaphore_mem>>)
      %dma_start3A_38 = arith.constant 3 : i32
      %dma_start3A_39 = arith.constant 384 : i32
      %dma_start3A_40 = arith.constant 0 : i32
      %dma_start3A_41 = tpu.memref_slice %arg6[%dma_start3A_39, %dma_start3A_40] : memref<1664x16xf32, #tpu.memory_space<vmem>> -> memref<128x16xf32, #tpu.memory_space<vmem>>
      %dma_start3A_42 = arith.constant 0 : i32
      %dma_start3A_43 = tpu.memref_slice %arg5[%dma_start3A_38, %dma_start3A_42] : memref<13x128xi32, #tpu.memory_space<vmem>> -> memref<1x128xi32, #tpu.memory_space<vmem>>
      %dma_start3A_44 = tpu.memref_squeeze %dma_start3A_43 : memref<1x128xi32, #tpu.memory_space<vmem>> -> memref<128xi32, #tpu.memory_space<vmem>>
      %dma_start3A_45 = arith.constant 0 : i32
      %dma_start3A_46 = arith.constant 0 : i32
      %dma_start3A_47 = tpu.memref_slice %arg2[%dma_start3A_45, %dma_start3A_46] : memref<53248x16xf32, #tpu.memory_space<hbm>> -> memref<53248x16xf32, #tpu.memory_space<hbm>>
      tpu.enqueue_indirect_dma source(%dma_start3A_47 : memref<53248x16xf32, #tpu.memory_space<hbm>>) target(%dma_start3A_41 : memref<128x16xf32, #tpu.memory_space<vmem>>) offsets(%dma_start3A_44 : memref<128xi32, #tpu.memory_space<vmem>>) semaphore(%arg7 : memref<!tpu.dma_semaphore, #tpu.memory_space<semaphore_mem>>)
      %dma_start3A_48 = arith.constant 4 : i32
      %dma_start3A_49 = arith.constant 512 : i32
      %dma_start3A_50 = arith.constant 0 : i32
      %dma_start3A_51 = tpu.memref_slice %arg6[%dma_start3A_49, %dma_start3A_50] : memref<1664x16xf32, #tpu.memory_space<vmem>> -> memref<128x16xf32, #tpu.memory_space<vmem>>
      %dma_start3A_52 = arith.constant 0 : i32
      %dma_start3A_53 = tpu.memref_slice %arg5[%dma_start3A_48, %dma_start3A_52] : memref<13x128xi32, #tpu.memory_space<vmem>> -> memref<1x128xi32, #tpu.memory_space<vmem>>
      %dma_start3A_54 = tpu.memref_squeeze %dma_start3A_53 : memref<1x128xi32, #tpu.memory_space<vmem>> -> memref<128xi32, #tpu.memory_space<vmem>>
      %dma_start3A_55 = arith.constant 0 : i32
      %dma_start3A_56 = arith.constant 0 : i32
      %dma_start3A_57 = tpu.memref_slice %arg2[%dma_start3A_55, %dma_start3A_56] : memref<53248x16xf32, #tpu.memory_space<hbm>> -> memref<53248x16xf32, #tpu.memory_space<hbm>>
      tpu.enqueue_indirect_dma source(%dma_start3A_57 : memref<53248x16xf32, #tpu.memory_space<hbm>>) target(%dma_start3A_51 : memref<128x16xf32, #tpu.memory_space<vmem>>) offsets(%dma_start3A_54 : memref<128xi32, #tpu.memory_space<vmem>>) semaphore(%arg7 : memref<!tpu.dma_semaphore, #tpu.memory_space<semaphore_mem>>)
      %dma_start3A_58 = arith.constant 5 : i32
      %dma_start3A_59 = arith.constant 640 : i32
      %dma_start3A_60 = arith.constant 0 : i32
      %dma_start3A_61 = tpu.memref_slice %arg6[%dma_start3A_59, %dma_start3A_60] : memref<1664x16xf32, #tpu.memory_space<vmem>> -> memref<128x16xf32, #tpu.memory_space<vmem>>
      %dma_start3A_62 = arith.constant 0 : i32
      %dma_start3A_63 = tpu.memref_slice %arg5[%dma_start3A_58, %dma_start3A_62] : memref<13x128xi32, #tpu.memory_space<vmem>> -> memref<1x128xi32, #tpu.memory_space<vmem>>
      %dma_start3A_64 = tpu.memref_squeeze %dma_start3A_63 : memref<1x128xi32, #tpu.memory_space<vmem>> -> memref<128xi32, #tpu.memory_space<vmem>>
      %dma_start3A_65 = arith.constant 0 : i32
      %dma_start3A_66 = arith.constant 0 : i32
      %dma_start3A_67 = tpu.memref_slice %arg2[%dma_start3A_65, %dma_start3A_66] : memref<53248x16xf32, #tpu.memory_space<hbm>> -> memref<53248x16xf32, #tpu.memory_space<hbm>>
      tpu.enqueue_indirect_dma source(%dma_start3A_67 : memref<53248x16xf32, #tpu.memory_space<hbm>>) target(%dma_start3A_61 : memref<128x16xf32, #tpu.memory_space<vmem>>) offsets(%dma_start3A_64 : memref<128xi32, #tpu.memory_space<vmem>>) semaphore(%arg7 : memref<!tpu.dma_semaphore, #tpu.memory_space<semaphore_mem>>)
      %dma_start3A_68 = arith.constant 6 : i32
      %dma_start3A_69 = arith.constant 768 : i32
      %dma_start3A_70 = arith.constant 0 : i32
      %dma_start3A_71 = tpu.memref_slice %arg6[%dma_start3A_69, %dma_start3A_70] : memref<1664x16xf32, #tpu.memory_space<vmem>> -> memref<128x16xf32, #tpu.memory_space<vmem>>
      %dma_start3A_72 = arith.constant 0 : i32
      %dma_start3A_73 = tpu.memref_slice %arg5[%dma_start3A_68, %dma_start3A_72] : memref<13x128xi32, #tpu.memory_space<vmem>> -> memref<1x128xi32, #tpu.memory_space<vmem>>
      %dma_start3A_74 = tpu.memref_squeeze %dma_start3A_73 : memref<1x128xi32, #tpu.memory_space<vmem>> -> memref<128xi32, #tpu.memory_space<vmem>>
      %dma_start3A_75 = arith.constant 0 : i32
      %dma_start3A_76 = arith.constant 0 : i32
      %dma_start3A_77 = tpu.memref_slice %arg2[%dma_start3A_75, %dma_start3A_76] : memref<53248x16xf32, #tpu.memory_space<hbm>> -> memref<53248x16xf32, #tpu.memory_space<hbm>>
      tpu.enqueue_indirect_dma source(%dma_start3A_77 : memref<53248x16xf32, #tpu.memory_space<hbm>>) target(%dma_start3A_71 : memref<128x16xf32, #tpu.memory_space<vmem>>) offsets(%dma_start3A_74 : memref<128xi32, #tpu.memory_space<vmem>>) semaphore(%arg7 : memref<!tpu.dma_semaphore, #tpu.memory_space<semaphore_mem>>)
      %dma_start3A_78 = arith.constant 7 : i32
      %dma_start3A_79 = arith.constant 896 : i32
      %dma_start3A_80 = arith.constant 0 : i32
      %dma_start3A_81 = tpu.memref_slice %arg6[%dma_start3A_79, %dma_start3A_80] : memref<1664x16xf32, #tpu.memory_space<vmem>> -> memref<128x16xf32, #tpu.memory_space<vmem>>
      %dma_start3A_82 = arith.constant 0 : i32
      %dma_start3A_83 = tpu.memref_slice %arg5[%dma_start3A_78, %dma_start3A_82] : memref<13x128xi32, #tpu.memory_space<vmem>> -> memref<1x128xi32, #tpu.memory_space<vmem>>
      %dma_start3A_84 = tpu.memref_squeeze %dma_start3A_83 : memref<1x128xi32, #tpu.memory_space<vmem>> -> memref<128xi32, #tpu.memory_space<vmem>>
      %dma_start3A_85 = arith.constant 0 : i32
      %dma_start3A_86 = arith.constant 0 : i32
      %dma_start3A_87 = tpu.memref_slice %arg2[%dma_start3A_85, %dma_start3A_86] : memref<53248x16xf32, #tpu.memory_space<hbm>> -> memref<53248x16xf32, #tpu.memory_space<hbm>>
      tpu.enqueue_indirect_dma source(%dma_start3A_87 : memref<53248x16xf32, #tpu.memory_space<hbm>>) target(%dma_start3A_81 : memref<128x16xf32, #tpu.memory_space<vmem>>) offsets(%dma_start3A_84 : memref<128xi32, #tpu.memory_space<vmem>>) semaphore(%arg7 : memref<!tpu.dma_semaphore, #tpu.memory_space<semaphore_mem>>)
      %dma_start3A_88 = arith.constant 8 : i32
      %dma_start3A_89 = arith.constant 1024 : i32
      %dma_start3A_90 = arith.constant 0 : i32
      %dma_start3A_91 = tpu.memref_slice %arg6[%dma_start3A_89, %dma_start3A_90] : memref<1664x16xf32, #tpu.memory_space<vmem>> -> memref<128x16xf32, #tpu.memory_space<vmem>>
      %dma_start3A_92 = arith.constant 0 : i32
      %dma_start3A_93 = tpu.memref_slice %arg5[%dma_start3A_88, %dma_start3A_92] : memref<13x128xi32, #tpu.memory_space<vmem>> -> memref<1x128xi32, #tpu.memory_space<vmem>>
      %dma_start3A_94 = tpu.memref_squeeze %dma_start3A_93 : memref<1x128xi32, #tpu.memory_space<vmem>> -> memref<128xi32, #tpu.memory_space<vmem>>
      %dma_start3A_95 = arith.constant 0 : i32
      %dma_start3A_96 = arith.constant 0 : i32
      %dma_start3A_97 = tpu.memref_slice %arg2[%dma_start3A_95, %dma_start3A_96] : memref<53248x16xf32, #tpu.memory_space<hbm>> -> memref<53248x16xf32, #tpu.memory_space<hbm>>
      tpu.enqueue_indirect_dma source(%dma_start3A_97 : memref<53248x16xf32, #tpu.memory_space<hbm>>) target(%dma_start3A_91 : memref<128x16xf32, #tpu.memory_space<vmem>>) offsets(%dma_start3A_94 : memref<128xi32, #tpu.memory_space<vmem>>) semaphore(%arg7 : memref<!tpu.dma_semaphore, #tpu.memory_space<semaphore_mem>>)
      %dma_start3A_98 = arith.constant 9 : i32
      %dma_start3A_99 = arith.constant 1152 : i32
      %dma_start3A_100 = arith.constant 0 : i32
      %dma_start3A_101 = tpu.memref_slice %arg6[%dma_start3A_99, %dma_start3A_100] : memref<1664x16xf32, #tpu.memory_space<vmem>> -> memref<128x16xf32, #tpu.memory_space<vmem>>
      %dma_start3A_102 = arith.constant 0 : i32
      %dma_start3A_103 = tpu.memref_slice %arg5[%dma_start3A_98, %dma_start3A_102] : memref<13x128xi32, #tpu.memory_space<vmem>> -> memref<1x128xi32, #tpu.memory_space<vmem>>
      %dma_start3A_104 = tpu.memref_squeeze %dma_start3A_103 : memref<1x128xi32, #tpu.memory_space<vmem>> -> memref<128xi32, #tpu.memory_space<vmem>>
      %dma_start3A_105 = arith.constant 0 : i32
      %dma_start3A_106 = arith.constant 0 : i32
      %dma_start3A_107 = tpu.memref_slice %arg2[%dma_start3A_105, %dma_start3A_106] : memref<53248x16xf32, #tpu.memory_space<hbm>> -> memref<53248x16xf32, #tpu.memory_space<hbm>>
      tpu.enqueue_indirect_dma source(%dma_start3A_107 : memref<53248x16xf32, #tpu.memory_space<hbm>>) target(%dma_start3A_101 : memref<128x16xf32, #tpu.memory_space<vmem>>) offsets(%dma_start3A_104 : memref<128xi32, #tpu.memory_space<vmem>>) semaphore(%arg7 : memref<!tpu.dma_semaphore, #tpu.memory_space<semaphore_mem>>)
      %dma_start3A_108 = arith.constant 10 : i32
      %dma_start3A_109 = arith.constant 1280 : i32
      %dma_start3A_110 = arith.constant 0 : i32
      %dma_start3A_111 = tpu.memref_slice %arg6[%dma_start3A_109, %dma_start3A_110] : memref<1664x16xf32, #tpu.memory_space<vmem>> -> memref<128x16xf32, #tpu.memory_space<vmem>>
      %dma_start3A_112 = arith.constant 0 : i32
      %dma_start3A_113 = tpu.memref_slice %arg5[%dma_start3A_108, %dma_start3A_112] : memref<13x128xi32, #tpu.memory_space<vmem>> -> memref<1x128xi32, #tpu.memory_space<vmem>>
      %dma_start3A_114 = tpu.memref_squeeze %dma_start3A_113 : memref<1x128xi32, #tpu.memory_space<vmem>> -> memref<128xi32, #tpu.memory_space<vmem>>
      %dma_start3A_115 = arith.constant 0 : i32
      %dma_start3A_116 = arith.constant 0 : i32
      %dma_start3A_117 = tpu.memref_slice %arg2[%dma_start3A_115, %dma_start3A_116] : memref<53248x16xf32, #tpu.memory_space<hbm>> -> memref<53248x16xf32, #tpu.memory_space<hbm>>
      tpu.enqueue_indirect_dma source(%dma_start3A_117 : memref<53248x16xf32, #tpu.memory_space<hbm>>) target(%dma_start3A_111 : memref<128x16xf32, #tpu.memory_space<vmem>>) offsets(%dma_start3A_114 : memref<128xi32, #tpu.memory_space<vmem>>) semaphore(%arg7 : memref<!tpu.dma_semaphore, #tpu.memory_space<semaphore_mem>>)
      %dma_start3A_118 = arith.constant 11 : i32
      %dma_start3A_119 = arith.constant 1408 : i32
      %dma_start3A_120 = arith.constant 0 : i32
      %dma_start3A_121 = tpu.memref_slice %arg6[%dma_start3A_119, %dma_start3A_120] : memref<1664x16xf32, #tpu.memory_space<vmem>> -> memref<128x16xf32, #tpu.memory_space<vmem>>
      %dma_start3A_122 = arith.constant 0 : i32
      %dma_start3A_123 = tpu.memref_slice %arg5[%dma_start3A_118, %dma_start3A_122] : memref<13x128xi32, #tpu.memory_space<vmem>> -> memref<1x128xi32, #tpu.memory_space<vmem>>
      %dma_start3A_124 = tpu.memref_squeeze %dma_start3A_123 : memref<1x128xi32, #tpu.memory_space<vmem>> -> memref<128xi32, #tpu.memory_space<vmem>>
      %dma_start3A_125 = arith.constant 0 : i32
      %dma_start3A_126 = arith.constant 0 : i32
      %dma_start3A_127 = tpu.memref_slice %arg2[%dma_start3A_125, %dma_start3A_126] : memref<53248x16xf32, #tpu.memory_space<hbm>> -> memref<53248x16xf32, #tpu.memory_space<hbm>>
      tpu.enqueue_indirect_dma source(%dma_start3A_127 : memref<53248x16xf32, #tpu.memory_space<hbm>>) target(%dma_start3A_121 : memref<128x16xf32, #tpu.memory_space<vmem>>) offsets(%dma_start3A_124 : memref<128xi32, #tpu.memory_space<vmem>>) semaphore(%arg7 : memref<!tpu.dma_semaphore, #tpu.memory_space<semaphore_mem>>)
      %dma_start3A_128 = arith.constant 12 : i32
      %dma_start3A_129 = arith.constant 1536 : i32
      %dma_start3A_130 = arith.constant 0 : i32
      %dma_start3A_131 = tpu.memref_slice %arg6[%dma_start3A_129, %dma_start3A_130] : memref<1664x16xf32, #tpu.memory_space<vmem>> -> memref<128x16xf32, #tpu.memory_space<vmem>>
      %dma_start3A_132 = arith.constant 0 : i32
      %dma_start3A_133 = tpu.memref_slice %arg5[%dma_start3A_128, %dma_start3A_132] : memref<13x128xi32, #tpu.memory_space<vmem>> -> memref<1x128xi32, #tpu.memory_space<vmem>>
      %dma_start3A_134 = tpu.memref_squeeze %dma_start3A_133 : memref<1x128xi32, #tpu.memory_space<vmem>> -> memref<128xi32, #tpu.memory_space<vmem>>
      %dma_start3A_135 = arith.constant 0 : i32
      %dma_start3A_136 = arith.constant 0 : i32
      %dma_start3A_137 = tpu.memref_slice %arg2[%dma_start3A_135, %dma_start3A_136] : memref<53248x16xf32, #tpu.memory_space<hbm>> -> memref<53248x16xf32, #tpu.memory_space<hbm>>
      tpu.enqueue_indirect_dma source(%dma_start3A_137 : memref<53248x16xf32, #tpu.memory_space<hbm>>) target(%dma_start3A_131 : memref<128x16xf32, #tpu.memory_space<vmem>>) offsets(%dma_start3A_134 : memref<128xi32, #tpu.memory_space<vmem>>) semaphore(%arg7 : memref<!tpu.dma_semaphore, #tpu.memory_space<semaphore_mem>>)
      %dma_wait3A = arith.constant 0 : i32
      %dma_wait3A_138 = arith.constant 0 : i32
      %dma_wait3A_139 = arith.constant 0 : i32
      %dma_wait3A_140 = tpu.memref_slice %arg6[%dma_wait3A_138, %dma_wait3A_139] : memref<1664x16xf32, #tpu.memory_space<vmem>> -> memref<128x16xf32, #tpu.memory_space<vmem>>
      %dma_wait3A_141 = arith.constant 0 : i32
      %dma_wait3A_142 = tpu.memref_slice %arg5[%dma_wait3A, %dma_wait3A_141] : memref<13x128xi32, #tpu.memory_space<vmem>> -> memref<1x128xi32, #tpu.memory_space<vmem>>
      %dma_wait3A_143 = tpu.memref_squeeze %dma_wait3A_142 : memref<1x128xi32, #tpu.memory_space<vmem>> -> memref<128xi32, #tpu.memory_space<vmem>>
      %dma_wait3A_144 = arith.constant 0 : i32
      %dma_wait3A_145 = arith.constant 0 : i32
      %dma_wait3A_146 = tpu.memref_slice %arg2[%dma_wait3A_144, %dma_wait3A_145] : memref<53248x16xf32, #tpu.memory_space<hbm>> -> memref<53248x16xf32, #tpu.memory_space<hbm>>
      tpu.wait_indirect_dma semaphore(%arg7 : memref<!tpu.dma_semaphore, #tpu.memory_space<semaphore_mem>>) src(%dma_wait3A_146 : memref<53248x16xf32, #tpu.memory_space<hbm>>) dst(%dma_wait3A_140 : memref<128x16xf32, #tpu.memory_space<vmem>>)
      %dma_wait3A_147 = arith.constant 1 : i32
      %dma_wait3A_148 = arith.constant 128 : i32
      %dma_wait3A_149 = arith.constant 0 : i32
      %dma_wait3A_150 = tpu.memref_slice %arg6[%dma_wait3A_148, %dma_wait3A_149] : memref<1664x16xf32, #tpu.memory_space<vmem>> -> memref<128x16xf32, #tpu.memory_space<vmem>>
      %dma_wait3A_151 = arith.constant 0 : i32
      %dma_wait3A_152 = tpu.memref_slice %arg5[%dma_wait3A_147, %dma_wait3A_151] : memref<13x128xi32, #tpu.memory_space<vmem>> -> memref<1x128xi32, #tpu.memory_space<vmem>>
      %dma_wait3A_153 = tpu.memref_squeeze %dma_wait3A_152 : memref<1x128xi32, #tpu.memory_space<vmem>> -> memref<128xi32, #tpu.memory_space<vmem>>
      %dma_wait3A_154 = arith.constant 0 : i32
      %dma_wait3A_155 = arith.constant 0 : i32
      %dma_wait3A_156 = tpu.memref_slice %arg2[%dma_wait3A_154, %dma_wait3A_155] : memref<53248x16xf32, #tpu.memory_space<hbm>> -> memref<53248x16xf32, #tpu.memory_space<hbm>>
      tpu.wait_indirect_dma semaphore(%arg7 : memref<!tpu.dma_semaphore, #tpu.memory_space<semaphore_mem>>) src(%dma_wait3A_156 : memref<53248x16xf32, #tpu.memory_space<hbm>>) dst(%dma_wait3A_150 : memref<128x16xf32, #tpu.memory_space<vmem>>)
      %dma_wait3A_157 = arith.constant 2 : i32
      %dma_wait3A_158 = arith.constant 256 : i32
      %dma_wait3A_159 = arith.constant 0 : i32
      %dma_wait3A_160 = tpu.memref_slice %arg6[%dma_wait3A_158, %dma_wait3A_159] : memref<1664x16xf32, #tpu.memory_space<vmem>> -> memref<128x16xf32, #tpu.memory_space<vmem>>
      %dma_wait3A_161 = arith.constant 0 : i32
      %dma_wait3A_162 = tpu.memref_slice %arg5[%dma_wait3A_157, %dma_wait3A_161] : memref<13x128xi32, #tpu.memory_space<vmem>> -> memref<1x128xi32, #tpu.memory_space<vmem>>
      %dma_wait3A_163 = tpu.memref_squeeze %dma_wait3A_162 : memref<1x128xi32, #tpu.memory_space<vmem>> -> memref<128xi32, #tpu.memory_space<vmem>>
      %dma_wait3A_164 = arith.constant 0 : i32
      %dma_wait3A_165 = arith.constant 0 : i32
      %dma_wait3A_166 = tpu.memref_slice %arg2[%dma_wait3A_164, %dma_wait3A_165] : memref<53248x16xf32, #tpu.memory_space<hbm>> -> memref<53248x16xf32, #tpu.memory_space<hbm>>
      tpu.wait_indirect_dma semaphore(%arg7 : memref<!tpu.dma_semaphore, #tpu.memory_space<semaphore_mem>>) src(%dma_wait3A_166 : memref<53248x16xf32, #tpu.memory_space<hbm>>) dst(%dma_wait3A_160 : memref<128x16xf32, #tpu.memory_space<vmem>>)
      %dma_wait3A_167 = arith.constant 3 : i32
      %dma_wait3A_168 = arith.constant 384 : i32
      %dma_wait3A_169 = arith.constant 0 : i32
      %dma_wait3A_170 = tpu.memref_slice %arg6[%dma_wait3A_168, %dma_wait3A_169] : memref<1664x16xf32, #tpu.memory_space<vmem>> -> memref<128x16xf32, #tpu.memory_space<vmem>>
      %dma_wait3A_171 = arith.constant 0 : i32
      %dma_wait3A_172 = tpu.memref_slice %arg5[%dma_wait3A_167, %dma_wait3A_171] : memref<13x128xi32, #tpu.memory_space<vmem>> -> memref<1x128xi32, #tpu.memory_space<vmem>>
      %dma_wait3A_173 = tpu.memref_squeeze %dma_wait3A_172 : memref<1x128xi32, #tpu.memory_space<vmem>> -> memref<128xi32, #tpu.memory_space<vmem>>
      %dma_wait3A_174 = arith.constant 0 : i32
      %dma_wait3A_175 = arith.constant 0 : i32
      %dma_wait3A_176 = tpu.memref_slice %arg2[%dma_wait3A_174, %dma_wait3A_175] : memref<53248x16xf32, #tpu.memory_space<hbm>> -> memref<53248x16xf32, #tpu.memory_space<hbm>>
      tpu.wait_indirect_dma semaphore(%arg7 : memref<!tpu.dma_semaphore, #tpu.memory_space<semaphore_mem>>) src(%dma_wait3A_176 : memref<53248x16xf32, #tpu.memory_space<hbm>>) dst(%dma_wait3A_170 : memref<128x16xf32, #tpu.memory_space<vmem>>)
      %dma_wait3A_177 = arith.constant 4 : i32
      %dma_wait3A_178 = arith.constant 512 : i32
      %dma_wait3A_179 = arith.constant 0 : i32
      %dma_wait3A_180 = tpu.memref_slice %arg6[%dma_wait3A_178, %dma_wait3A_179] : memref<1664x16xf32, #tpu.memory_space<vmem>> -> memref<128x16xf32, #tpu.memory_space<vmem>>
      %dma_wait3A_181 = arith.constant 0 : i32
      %dma_wait3A_182 = tpu.memref_slice %arg5[%dma_wait3A_177, %dma_wait3A_181] : memref<13x128xi32, #tpu.memory_space<vmem>> -> memref<1x128xi32, #tpu.memory_space<vmem>>
      %dma_wait3A_183 = tpu.memref_squeeze %dma_wait3A_182 : memref<1x128xi32, #tpu.memory_space<vmem>> -> memref<128xi32, #tpu.memory_space<vmem>>
      %dma_wait3A_184 = arith.constant 0 : i32
      %dma_wait3A_185 = arith.constant 0 : i32
      %dma_wait3A_186 = tpu.memref_slice %arg2[%dma_wait3A_184, %dma_wait3A_185] : memref<53248x16xf32, #tpu.memory_space<hbm>> -> memref<53248x16xf32, #tpu.memory_space<hbm>>
      tpu.wait_indirect_dma semaphore(%arg7 : memref<!tpu.dma_semaphore, #tpu.memory_space<semaphore_mem>>) src(%dma_wait3A_186 : memref<53248x16xf32, #tpu.memory_space<hbm>>) dst(%dma_wait3A_180 : memref<128x16xf32, #tpu.memory_space<vmem>>)
      %dma_wait3A_187 = arith.constant 5 : i32
      %dma_wait3A_188 = arith.constant 640 : i32
      %dma_wait3A_189 = arith.constant 0 : i32
      %dma_wait3A_190 = tpu.memref_slice %arg6[%dma_wait3A_188, %dma_wait3A_189] : memref<1664x16xf32, #tpu.memory_space<vmem>> -> memref<128x16xf32, #tpu.memory_space<vmem>>
      %dma_wait3A_191 = arith.constant 0 : i32
      %dma_wait3A_192 = tpu.memref_slice %arg5[%dma_wait3A_187, %dma_wait3A_191] : memref<13x128xi32, #tpu.memory_space<vmem>> -> memref<1x128xi32, #tpu.memory_space<vmem>>
      %dma_wait3A_193 = tpu.memref_squeeze %dma_wait3A_192 : memref<1x128xi32, #tpu.memory_space<vmem>> -> memref<128xi32, #tpu.memory_space<vmem>>
      %dma_wait3A_194 = arith.constant 0 : i32
      %dma_wait3A_195 = arith.constant 0 : i32
      %dma_wait3A_196 = tpu.memref_slice %arg2[%dma_wait3A_194, %dma_wait3A_195] : memref<53248x16xf32, #tpu.memory_space<hbm>> -> memref<53248x16xf32, #tpu.memory_space<hbm>>
      tpu.wait_indirect_dma semaphore(%arg7 : memref<!tpu.dma_semaphore, #tpu.memory_space<semaphore_mem>>) src(%dma_wait3A_196 : memref<53248x16xf32, #tpu.memory_space<hbm>>) dst(%dma_wait3A_190 : memref<128x16xf32, #tpu.memory_space<vmem>>)
      %dma_wait3A_197 = arith.constant 6 : i32
      %dma_wait3A_198 = arith.constant 768 : i32
      %dma_wait3A_199 = arith.constant 0 : i32
      %dma_wait3A_200 = tpu.memref_slice %arg6[%dma_wait3A_198, %dma_wait3A_199] : memref<1664x16xf32, #tpu.memory_space<vmem>> -> memref<128x16xf32, #tpu.memory_space<vmem>>
      %dma_wait3A_201 = arith.constant 0 : i32
      %dma_wait3A_202 = tpu.memref_slice %arg5[%dma_wait3A_197, %dma_wait3A_201] : memref<13x128xi32, #tpu.memory_space<vmem>> -> memref<1x128xi32, #tpu.memory_space<vmem>>
      %dma_wait3A_203 = tpu.memref_squeeze %dma_wait3A_202 : memref<1x128xi32, #tpu.memory_space<vmem>> -> memref<128xi32, #tpu.memory_space<vmem>>
      %dma_wait3A_204 = arith.constant 0 : i32
      %dma_wait3A_205 = arith.constant 0 : i32
      %dma_wait3A_206 = tpu.memref_slice %arg2[%dma_wait3A_204, %dma_wait3A_205] : memref<53248x16xf32, #tpu.memory_space<hbm>> -> memref<53248x16xf32, #tpu.memory_space<hbm>>
      tpu.wait_indirect_dma semaphore(%arg7 : memref<!tpu.dma_semaphore, #tpu.memory_space<semaphore_mem>>) src(%dma_wait3A_206 : memref<53248x16xf32, #tpu.memory_space<hbm>>) dst(%dma_wait3A_200 : memref<128x16xf32, #tpu.memory_space<vmem>>)
      %dma_wait3A_207 = arith.constant 7 : i32
      %dma_wait3A_208 = arith.constant 896 : i32
      %dma_wait3A_209 = arith.constant 0 : i32
      %dma_wait3A_210 = tpu.memref_slice %arg6[%dma_wait3A_208, %dma_wait3A_209] : memref<1664x16xf32, #tpu.memory_space<vmem>> -> memref<128x16xf32, #tpu.memory_space<vmem>>
      %dma_wait3A_211 = arith.constant 0 : i32
      %dma_wait3A_212 = tpu.memref_slice %arg5[%dma_wait3A_207, %dma_wait3A_211] : memref<13x128xi32, #tpu.memory_space<vmem>> -> memref<1x128xi32, #tpu.memory_space<vmem>>
      %dma_wait3A_213 = tpu.memref_squeeze %dma_wait3A_212 : memref<1x128xi32, #tpu.memory_space<vmem>> -> memref<128xi32, #tpu.memory_space<vmem>>
      %dma_wait3A_214 = arith.constant 0 : i32
      %dma_wait3A_215 = arith.constant 0 : i32
      %dma_wait3A_216 = tpu.memref_slice %arg2[%dma_wait3A_214, %dma_wait3A_215] : memref<53248x16xf32, #tpu.memory_space<hbm>> -> memref<53248x16xf32, #tpu.memory_space<hbm>>
      tpu.wait_indirect_dma semaphore(%arg7 : memref<!tpu.dma_semaphore, #tpu.memory_space<semaphore_mem>>) src(%dma_wait3A_216 : memref<53248x16xf32, #tpu.memory_space<hbm>>) dst(%dma_wait3A_210 : memref<128x16xf32, #tpu.memory_space<vmem>>)
      %dma_wait3A_217 = arith.constant 8 : i32
      %dma_wait3A_218 = arith.constant 1024 : i32
      %dma_wait3A_219 = arith.constant 0 : i32
      %dma_wait3A_220 = tpu.memref_slice %arg6[%dma_wait3A_218, %dma_wait3A_219] : memref<1664x16xf32, #tpu.memory_space<vmem>> -> memref<128x16xf32, #tpu.memory_space<vmem>>
      %dma_wait3A_221 = arith.constant 0 : i32
      %dma_wait3A_222 = tpu.memref_slice %arg5[%dma_wait3A_217, %dma_wait3A_221] : memref<13x128xi32, #tpu.memory_space<vmem>> -> memref<1x128xi32, #tpu.memory_space<vmem>>
      %dma_wait3A_223 = tpu.memref_squeeze %dma_wait3A_222 : memref<1x128xi32, #tpu.memory_space<vmem>> -> memref<128xi32, #tpu.memory_space<vmem>>
      %dma_wait3A_224 = arith.constant 0 : i32
      %dma_wait3A_225 = arith.constant 0 : i32
      %dma_wait3A_226 = tpu.memref_slice %arg2[%dma_wait3A_224, %dma_wait3A_225] : memref<53248x16xf32, #tpu.memory_space<hbm>> -> memref<53248x16xf32, #tpu.memory_space<hbm>>
      tpu.wait_indirect_dma semaphore(%arg7 : memref<!tpu.dma_semaphore, #tpu.memory_space<semaphore_mem>>) src(%dma_wait3A_226 : memref<53248x16xf32, #tpu.memory_space<hbm>>) dst(%dma_wait3A_220 : memref<128x16xf32, #tpu.memory_space<vmem>>)
      %dma_wait3A_227 = arith.constant 9 : i32
      %dma_wait3A_228 = arith.constant 1152 : i32
      %dma_wait3A_229 = arith.constant 0 : i32
      %dma_wait3A_230 = tpu.memref_slice %arg6[%dma_wait3A_228, %dma_wait3A_229] : memref<1664x16xf32, #tpu.memory_space<vmem>> -> memref<128x16xf32, #tpu.memory_space<vmem>>
      %dma_wait3A_231 = arith.constant 0 : i32
      %dma_wait3A_232 = tpu.memref_slice %arg5[%dma_wait3A_227, %dma_wait3A_231] : memref<13x128xi32, #tpu.memory_space<vmem>> -> memref<1x128xi32, #tpu.memory_space<vmem>>
      %dma_wait3A_233 = tpu.memref_squeeze %dma_wait3A_232 : memref<1x128xi32, #tpu.memory_space<vmem>> -> memref<128xi32, #tpu.memory_space<vmem>>
      %dma_wait3A_234 = arith.constant 0 : i32
      %dma_wait3A_235 = arith.constant 0 : i32
      %dma_wait3A_236 = tpu.memref_slice %arg2[%dma_wait3A_234, %dma_wait3A_235] : memref<53248x16xf32, #tpu.memory_space<hbm>> -> memref<53248x16xf32, #tpu.memory_space<hbm>>
      tpu.wait_indirect_dma semaphore(%arg7 : memref<!tpu.dma_semaphore, #tpu.memory_space<semaphore_mem>>) src(%dma_wait3A_236 : memref<53248x16xf32, #tpu.memory_space<hbm>>) dst(%dma_wait3A_230 : memref<128x16xf32, #tpu.memory_space<vmem>>)
      %dma_wait3A_237 = arith.constant 10 : i32
      %dma_wait3A_238 = arith.constant 1280 : i32
      %dma_wait3A_239 = arith.constant 0 : i32
      %dma_wait3A_240 = tpu.memref_slice %arg6[%dma_wait3A_238, %dma_wait3A_239] : memref<1664x16xf32, #tpu.memory_space<vmem>> -> memref<128x16xf32, #tpu.memory_space<vmem>>
      %dma_wait3A_241 = arith.constant 0 : i32
      %dma_wait3A_242 = tpu.memref_slice %arg5[%dma_wait3A_237, %dma_wait3A_241] : memref<13x128xi32, #tpu.memory_space<vmem>> -> memref<1x128xi32, #tpu.memory_space<vmem>>
      %dma_wait3A_243 = tpu.memref_squeeze %dma_wait3A_242 : memref<1x128xi32, #tpu.memory_space<vmem>> -> memref<128xi32, #tpu.memory_space<vmem>>
      %dma_wait3A_244 = arith.constant 0 : i32
      %dma_wait3A_245 = arith.constant 0 : i32
      %dma_wait3A_246 = tpu.memref_slice %arg2[%dma_wait3A_244, %dma_wait3A_245] : memref<53248x16xf32, #tpu.memory_space<hbm>> -> memref<53248x16xf32, #tpu.memory_space<hbm>>
      tpu.wait_indirect_dma semaphore(%arg7 : memref<!tpu.dma_semaphore, #tpu.memory_space<semaphore_mem>>) src(%dma_wait3A_246 : memref<53248x16xf32, #tpu.memory_space<hbm>>) dst(%dma_wait3A_240 : memref<128x16xf32, #tpu.memory_space<vmem>>)
      %dma_wait3A_247 = arith.constant 11 : i32
      %dma_wait3A_248 = arith.constant 1408 : i32
      %dma_wait3A_249 = arith.constant 0 : i32
      %dma_wait3A_250 = tpu.memref_slice %arg6[%dma_wait3A_248, %dma_wait3A_249] : memref<1664x16xf32, #tpu.memory_space<vmem>> -> memref<128x16xf32, #tpu.memory_space<vmem>>
      %dma_wait3A_251 = arith.constant 0 : i32
      %dma_wait3A_252 = tpu.memref_slice %arg5[%dma_wait3A_247, %dma_wait3A_251] : memref<13x128xi32, #tpu.memory_space<vmem>> -> memref<1x128xi32, #tpu.memory_space<vmem>>
      %dma_wait3A_253 = tpu.memref_squeeze %dma_wait3A_252 : memref<1x128xi32, #tpu.memory_space<vmem>> -> memref<128xi32, #tpu.memory_space<vmem>>
      %dma_wait3A_254 = arith.constant 0 : i32
      %dma_wait3A_255 = arith.constant 0 : i32
      %dma_wait3A_256 = tpu.memref_slice %arg2[%dma_wait3A_254, %dma_wait3A_255] : memref<53248x16xf32, #tpu.memory_space<hbm>> -> memref<53248x16xf32, #tpu.memory_space<hbm>>
      tpu.wait_indirect_dma semaphore(%arg7 : memref<!tpu.dma_semaphore, #tpu.memory_space<semaphore_mem>>) src(%dma_wait3A_256 : memref<53248x16xf32, #tpu.memory_space<hbm>>) dst(%dma_wait3A_250 : memref<128x16xf32, #tpu.memory_space<vmem>>)
      %dma_wait3A_257 = arith.constant 12 : i32
      %dma_wait3A_258 = arith.constant 1536 : i32
      %dma_wait3A_259 = arith.constant 0 : i32
      %dma_wait3A_260 = tpu.memref_slice %arg6[%dma_wait3A_258, %dma_wait3A_259] : memref<1664x16xf32, #tpu.memory_space<vmem>> -> memref<128x16xf32, #tpu.memory_space<vmem>>
      %dma_wait3A_261 = arith.constant 0 : i32
      %dma_wait3A_262 = tpu.memref_slice %arg5[%dma_wait3A_257, %dma_wait3A_261] : memref<13x128xi32, #tpu.memory_space<vmem>> -> memref<1x128xi32, #tpu.memory_space<vmem>>
      %dma_wait3A_263 = tpu.memref_squeeze %dma_wait3A_262 : memref<1x128xi32, #tpu.memory_space<vmem>> -> memref<128xi32, #tpu.memory_space<vmem>>
      %dma_wait3A_264 = arith.constant 0 : i32
      %dma_wait3A_265 = arith.constant 0 : i32
      %dma_wait3A_266 = tpu.memref_slice %arg2[%dma_wait3A_264, %dma_wait3A_265] : memref<53248x16xf32, #tpu.memory_space<hbm>> -> memref<53248x16xf32, #tpu.memory_space<hbm>>
      tpu.wait_indirect_dma semaphore(%arg7 : memref<!tpu.dma_semaphore, #tpu.memory_space<semaphore_mem>>) src(%dma_wait3A_266 : memref<53248x16xf32, #tpu.memory_space<hbm>>) dst(%dma_wait3A_260 : memref<128x16xf32, #tpu.memory_space<vmem>>)
      "tpu.region"() ({
        %run_scoped3A = tpu.sem_alloc : memref<!tpu.dma_semaphore, #tpu.memory_space<semaphore_mem>>
        %dma_start3A_267 = arith.constant 0 : i32
        %dma_start3A_268 = arith.constant 0 : i32
        %dma_start3A_269 = tpu.memref_slice %arg6[%dma_start3A_267, %dma_start3A_268] : memref<1664x16xf32, #tpu.memory_space<vmem>> -> memref<1664x4xf32, #tpu.memory_space<vmem>>
        %dma_start3A_270 = arith.constant 0 : i32
        %dma_start3A_271 = tpu.memref_slice %arg4[%scan3A_8, %mul3A_2, %dma_start3A_270] : memref<16x53248x4xf32, #tpu.memory_space<hbm>> -> memref<1x1664x4xf32, #tpu.memory_space<hbm>>
        %dma_start3A_272 = tpu.memref_squeeze %dma_start3A_271 : memref<1x1664x4xf32, #tpu.memory_space<hbm>> -> memref<1664x4xf32, #tpu.memory_space<hbm>>
        %dma_start3A_273 = arith.constant 0 : i32
        %dma_start3A_274 = tpu.memref_slice %arg4[%scan3A_8, %mul3A_2, %dma_start3A_273] : memref<16x53248x4xf32, #tpu.memory_space<hbm>> -> memref<1x1664x4xf32, #tpu.memory_space<hbm>>
        %dma_start3A_275 = tpu.memref_squeeze %dma_start3A_274 : memref<1x1664x4xf32, #tpu.memory_space<hbm>> -> memref<1664x4xf32, #tpu.memory_space<hbm>>
        %dma_start3A_276 = arith.constant 0 : i32
        %dma_start3A_277 = arith.constant 0 : i32
        %dma_start3A_278 = tpu.memref_slice %arg6[%dma_start3A_276, %dma_start3A_277] : memref<1664x16xf32, #tpu.memory_space<vmem>> -> memref<1664x4xf32, #tpu.memory_space<vmem>>
        tpu.enqueue_dma source(%dma_start3A_278 : memref<1664x4xf32, #tpu.memory_space<vmem>>) target(%dma_start3A_275 : memref<1664x4xf32, #tpu.memory_space<hbm>>) target_semaphore(%run_scoped3A : memref<!tpu.dma_semaphore, #tpu.memory_space<semaphore_mem>>)
        %dma_wait3A_279 = arith.constant 0 : i32
        %dma_wait3A_280 = arith.constant 0 : i32
        %dma_wait3A_281 = tpu.memref_slice %arg6[%dma_wait3A_279, %dma_wait3A_280] : memref<1664x16xf32, #tpu.memory_space<vmem>> -> memref<1664x4xf32, #tpu.memory_space<vmem>>
        %dma_wait3A_282 = arith.constant 0 : i32
        %dma_wait3A_283 = tpu.memref_slice %arg4[%scan3A_8, %mul3A_2, %dma_wait3A_282] : memref<16x53248x4xf32, #tpu.memory_space<hbm>> -> memref<1x1664x4xf32, #tpu.memory_space<hbm>>
        %dma_wait3A_284 = tpu.memref_squeeze %dma_wait3A_283 : memref<1x1664x4xf32, #tpu.memory_space<hbm>> -> memref<1664x4xf32, #tpu.memory_space<hbm>>
        %dma_wait3A_285 = arith.constant 0 : i32
        %dma_wait3A_286 = tpu.memref_slice %arg4[%scan3A_8, %mul3A_2, %dma_wait3A_285] : memref<16x53248x4xf32, #tpu.memory_space<hbm>> -> memref<1x1664x4xf32, #tpu.memory_space<hbm>>
        %dma_wait3A_287 = tpu.memref_squeeze %dma_wait3A_286 : memref<1x1664x4xf32, #tpu.memory_space<hbm>> -> memref<1664x4xf32, #tpu.memory_space<hbm>>
        %dma_wait3A_288 = arith.constant 0 : i32
        %dma_wait3A_289 = arith.constant 0 : i32
        %dma_wait3A_290 = tpu.memref_slice %arg6[%dma_wait3A_288, %dma_wait3A_289] : memref<1664x16xf32, #tpu.memory_space<vmem>> -> memref<1664x4xf32, #tpu.memory_space<vmem>>
        tpu.wait_dma2 semaphore(%run_scoped3A : memref<!tpu.dma_semaphore, #tpu.memory_space<semaphore_mem>>) src(%dma_wait3A_290 : memref<1664x4xf32, #tpu.memory_space<vmem>>) dst(%dma_wait3A_287 : memref<1664x4xf32, #tpu.memory_space<hbm>>)
        tpu.yield
      }) : () -> ()
    }
    %scan3A_7 = arith.constant 16 : i32
    return
  }
}

module attributes {stable_mosaic.version = 14 : i64} {
  func.func @_tc2_body(%arg0: i32, %arg1: memref<16x4x512xf32, #tpu.memory_space<vmem>>, %arg2: memref<8x512xf32, #tpu.memory_space<vmem>>, %arg3: memref<32x1xf32, #tpu.memory_space<vmem>>, %arg4: memref<32x1xf32, #tpu.memory_space<vmem>>, %arg5: memref<12x48xf32, #tpu.memory_space<vmem>>, %arg6: memref<64x32xf32, #tpu.memory_space<vmem>>, %arg7: memref<64x12xf32, #tpu.memory_space<vmem>>, %arg8: memref<1x64xf32, #tpu.memory_space<vmem>>, %arg9: memref<64x64xf32, #tpu.memory_space<vmem>>, %arg10: memref<64x512xf32, #tpu.memory_space<vmem>>, %arg11: memref<64x128xf32, #tpu.memory_space<vmem>>, %arg12: memref<64x128xf32, #tpu.memory_space<vmem>>, %arg13: memref<64x8192xf32, #tpu.memory_space<vmem>>, %arg14: memref<16x512xf32, #tpu.memory_space<vmem>>, %arg15: memref<64x512xf32, #tpu.memory_space<vmem>>, %arg16: memref<64x512xf32, #tpu.memory_space<vmem>>) attributes {dimension_semantics = [#tpu.dimension_semantics<arbitrary>], iteration_bounds = array<i64: 104>, scalar_prefetch = 0 : i64, scratch_operands = 4 : i64, tpu.core_type = #tpu.core_type<tc>, window_params = [{transform_indices = @transform_0, window_bounds = array<i64: 16, 4, 512>}, {transform_indices = @transform_1, window_bounds = array<i64: 8, 512>}, {pipeline_mode = #tpu.pipeline_mode<synchronous>, transform_indices = @transform_2, window_bounds = array<i64: 32, 1>}, {pipeline_mode = #tpu.pipeline_mode<synchronous>, transform_indices = @transform_3, window_bounds = array<i64: 32, 1>}, {pipeline_mode = #tpu.pipeline_mode<synchronous>, transform_indices = @transform_4, window_bounds = array<i64: 12, 48>}, {pipeline_mode = #tpu.pipeline_mode<synchronous>, transform_indices = @transform_5, window_bounds = array<i64: 64, 32>}, {pipeline_mode = #tpu.pipeline_mode<synchronous>, transform_indices = @transform_6, window_bounds = array<i64: 64, 12>}, {pipeline_mode = #tpu.pipeline_mode<synchronous>, transform_indices = @transform_7, window_bounds = array<i64: 1, 64>}, {pipeline_mode = #tpu.pipeline_mode<synchronous>, transform_indices = @transform_8, window_bounds = array<i64: 64, 64>}, {transform_indices = @transform_9, window_bounds = array<i64: 64, 512>}, {pipeline_mode = #tpu.pipeline_mode<synchronous>, transform_indices = @transform_10, window_bounds = array<i64: 64, 128>}, {pipeline_mode = #tpu.pipeline_mode<synchronous>, transform_indices = @transform_11, window_bounds = array<i64: 64, 128>}]} {
    %get3A = arith.constant 0 : index
    %get3A_0 = arith.constant 0 : index
    %get3A_1 = vector.load %arg3[%get3A, %get3A_0] : memref<32x1xf32, #tpu.memory_space<vmem>>, vector<32x1xf32>
    %get3A_2 = arith.constant 0 : index
    %get3A_3 = arith.constant 0 : index
    %get3A_4 = vector.load %arg4[%get3A_2, %get3A_3] : memref<32x1xf32, #tpu.memory_space<vmem>>, vector<32x1xf32>
    %get3A_5 = arith.constant 0 : index
    %get3A_6 = arith.constant 0 : index
    %get3A_7 = vector.load %arg7[%get3A_5, %get3A_6] : memref<64x12xf32, #tpu.memory_space<vmem>>, vector<64x12xf32>
    %get3A_8 = arith.constant 0 : index
    %get3A_9 = arith.constant 0 : index
    %get3A_10 = vector.load %arg5[%get3A_8, %get3A_9] : memref<12x48xf32, #tpu.memory_space<vmem>>, vector<12x48xf32>
    %dot_general3A = arith.constant dense<0.000000e+00> : vector<64x48xf32>
    %dot_general3A_11 = tpu.matmul %get3A_7, %get3A_10, %dot_general3A {dimension_numbers = #tpu.dot_dimension_numbers<[1], [0], [0], [1], [0, 0, 1, 1], [], []>, transpose_lhs_hint = false} : vector<64x12xf32>, vector<12x48xf32>, vector<64x48xf32> -> vector<64x48xf32>
    %get3A_12 = arith.constant 0 : index
    %get3A_13 = arith.constant 0 : index
    %get3A_14 = vector.load %arg6[%get3A_12, %get3A_13] : memref<64x32xf32, #tpu.memory_space<vmem>>, vector<64x32xf32>
    %concatenate3A = tpu.concatenate %get3A_14, %dot_general3A_11 in 1 : vector<64x32xf32>, vector<64x48xf32> -> vector<64x80xf32>
    %get3A_15 = arith.constant 0 : index
    %get3A_16 = arith.constant 0 : index
    %get3A_17 = vector.load %arg8[%get3A_15, %get3A_16] : memref<1x64xf32, #tpu.memory_space<vmem>>, vector<1x64xf32>
    %get3A_18 = arith.constant 0 : index
    %get3A_19 = arith.constant 0 : index
    %get3A_20 = vector.load %arg2[%get3A_18, %get3A_19] : memref<8x512xf32, #tpu.memory_space<vmem>>, vector<1x512xf32>
    %get3A_21 = arith.constant 1 : index
    %get3A_22 = arith.constant 0 : index
    %get3A_23 = vector.load %arg2[%get3A_21, %get3A_22] : memref<8x512xf32, #tpu.memory_space<vmem>>, vector<1x512xf32>
    %get3A_24 = arith.constant 2 : index
    %get3A_25 = arith.constant 0 : index
    %get3A_26 = vector.load %arg2[%get3A_24, %get3A_25] : memref<8x512xf32, #tpu.memory_space<vmem>>, vector<1x512xf32>
    %iota3A = tpu.iota {dimensions = array<i32: 0>} : vector<48x512xi32>
    %convert_element_type3A = arith.sitofp %iota3A : vector<48x512xi32> to vector<48x512xf32>
    %get3A_27 = arith.constant 0 : index
    %get3A_28 = arith.constant 0 : index
    %get3A_29 = arith.constant 0 : index
    %get3A_30 = vector.load %arg1[%get3A_27, %get3A_28, %get3A_29] : memref<16x4x512xf32, #tpu.memory_space<vmem>>, vector<1x1x512xf32>
    %get3A_31 = vector.shape_cast %get3A_30 : vector<1x1x512xf32> to vector<512xf32>
    %reshape3A = vector.shape_cast %get3A_31 : vector<512xf32> to vector<1x512xf32>
    %get3A_32 = arith.constant 0 : index
    %get3A_33 = arith.constant 1 : index
    %get3A_34 = arith.constant 0 : index
    %get3A_35 = vector.load %arg1[%get3A_32, %get3A_33, %get3A_34] : memref<16x4x512xf32, #tpu.memory_space<vmem>>, vector<1x1x512xf32>
    %get3A_36 = vector.shape_cast %get3A_35 : vector<1x1x512xf32> to vector<512xf32>
    %reshape3A_37 = vector.shape_cast %get3A_36 : vector<512xf32> to vector<1x512xf32>
    %get3A_38 = arith.constant 0 : index
    %get3A_39 = arith.constant 2 : index
    %get3A_40 = arith.constant 0 : index
    %get3A_41 = vector.load %arg1[%get3A_38, %get3A_39, %get3A_40] : memref<16x4x512xf32, #tpu.memory_space<vmem>>, vector<1x1x512xf32>
    %get3A_42 = vector.shape_cast %get3A_41 : vector<1x1x512xf32> to vector<512xf32>
    %reshape3A_43 = vector.shape_cast %get3A_42 : vector<512xf32> to vector<1x512xf32>
    %get3A_44 = arith.constant 0 : index
    %get3A_45 = arith.constant 3 : index
    %get3A_46 = arith.constant 0 : index
    %get3A_47 = vector.load %arg1[%get3A_44, %get3A_45, %get3A_46] : memref<16x4x512xf32, #tpu.memory_space<vmem>>, vector<1x1x512xf32>
    %get3A_48 = vector.shape_cast %get3A_47 : vector<1x1x512xf32> to vector<512xf32>
    %reshape3A_49 = vector.shape_cast %get3A_48 : vector<512xf32> to vector<1x512xf32>
    %sub3A = arith.subf %reshape3A, %get3A_20 : vector<1x512xf32>
    %sub3A_50 = arith.subf %reshape3A_37, %get3A_23 : vector<1x512xf32>
    %sub3A_51 = arith.subf %reshape3A_43, %get3A_26 : vector<1x512xf32>
    %mul3A = arith.mulf %sub3A, %sub3A : vector<1x512xf32>
    %mul3A_52 = arith.mulf %sub3A_50, %sub3A_50 : vector<1x512xf32>
    %add3A = arith.addf %mul3A, %mul3A_52 : vector<1x512xf32>
    %mul3A_53 = arith.mulf %sub3A_51, %sub3A_51 : vector<1x512xf32>
    %add3A_54 = arith.addf %add3A, %mul3A_53 : vector<1x512xf32>
    %add3A_55 = arith.constant 9.99999997E-7 : f32
    %add3A_56 = vector.broadcast %add3A_55 : f32 to vector<1x512xf32>
    %add3A_57 = arith.addf %add3A_54, %add3A_56 : vector<1x512xf32>
    %sqrt3A = math.sqrt %add3A_57 : vector<1x512xf32>
    %sub3A_58 = vector.broadcast %sqrt3A : vector<1x512xf32> to vector<32x512xf32>
    %sub3A_59 = vector.broadcast %get3A_1 : vector<32x1xf32> to vector<32x512xf32>
    %sub3A_60 = arith.subf %sub3A_58, %sub3A_59 : vector<32x512xf32>
    %mul3A_61 = vector.broadcast %get3A_4 : vector<32x1xf32> to vector<32x512xf32>
    %mul3A_62 = arith.mulf %sub3A_60, %mul3A_61 : vector<32x512xf32>
    %mul3A_63 = arith.mulf %mul3A_62, %mul3A_62 : vector<32x512xf32>
    %mul3A_64 = arith.constant -5.000000e-01 : f32
    %mul3A_65 = vector.broadcast %mul3A_64 : f32 to vector<32x512xf32>
    %mul3A_66 = arith.mulf %mul3A_65, %mul3A_63 : vector<32x512xf32>
    %exp3A = math.exp %mul3A_66 : vector<32x512xf32>
    %eq3A = vector.broadcast %reshape3A_49 : vector<1x512xf32> to vector<48x512xf32>
    %eq3A_67 = arith.cmpf oeq, %eq3A, %convert_element_type3A : vector<48x512xf32>
    %convert_element_type3A_68 = arith.extui %eq3A_67 : vector<48x512xi1> to vector<48x512xi32>
    %convert_element_type3A_69 = arith.sitofp %convert_element_type3A_68 : vector<48x512xi32> to vector<48x512xf32>
    %concatenate3A_70 = tpu.concatenate %exp3A, %convert_element_type3A_69 in 0 : vector<32x512xf32>, vector<48x512xf32> -> vector<80x512xf32>
    %dot_general3A_71 = arith.constant dense<0.000000e+00> : vector<64x512xf32>
    %dot_general3A_72 = tpu.matmul %concatenate3A, %concatenate3A_70, %dot_general3A_71 {dimension_numbers = #tpu.dot_dimension_numbers<[1], [0], [0], [1], [0, 0, 1, 1], [], []>, transpose_lhs_hint = false} : vector<64x80xf32>, vector<80x512xf32>, vector<64x512xf32> -> vector<64x512xf32>
    %max3A = arith.constant 0.000000e+00 : f32
    %max3A_73 = vector.broadcast %max3A : f32 to vector<64x512xf32>
    %max3A_74 = arith.maximumf %dot_general3A_72, %max3A_73 : vector<64x512xf32>
    %swap3A = arith.constant 0 : index
    %swap3A_75 = arith.constant 0 : index
    %swap3A_76 = vector.load %arg13[%swap3A, %swap3A_75] : memref<64x8192xf32, #tpu.memory_space<vmem>>, vector<64x512xf32>
    tpu.vector_store %arg13[%swap3A, %swap3A_75], %max3A_74 {strides = array<i32>} : memref<64x8192xf32, #tpu.memory_space<vmem>>, vector<64x512xf32>,
    %dot_general3A_77 = arith.constant dense<0.000000e+00> : vector<1x512xf32>
    %dot_general3A_78 = tpu.matmul %get3A_17, %max3A_74, %dot_general3A_77 {dimension_numbers = #tpu.dot_dimension_numbers<[1], [0], [0], [1], [0, 0, 1, 1], [], []>, transpose_lhs_hint = false} : vector<1x64xf32>, vector<64x512xf32>, vector<1x512xf32> -> vector<1x512xf32>
    %swap3A_79 = arith.constant 0 : index
    %swap3A_80 = arith.constant 0 : index
    %swap3A_81 = vector.load %arg14[%swap3A_79, %swap3A_80] : memref<16x512xf32, #tpu.memory_space<vmem>>, vector<1x512xf32>
    tpu.vector_store %arg14[%swap3A_79, %swap3A_80], %dot_general3A_78 {strides = array<i32>} : memref<16x512xf32, #tpu.memory_space<vmem>>, vector<1x512xf32>,
    %get3A_82 = arith.constant 1 : index
    %get3A_83 = arith.constant 0 : index
    %get3A_84 = arith.constant 0 : index
    %get3A_85 = vector.load %arg1[%get3A_82, %get3A_83, %get3A_84] : memref<16x4x512xf32, #tpu.memory_space<vmem>>, vector<1x1x512xf32>
    %get3A_86 = vector.shape_cast %get3A_85 : vector<1x1x512xf32> to vector<512xf32>
    %reshape3A_87 = vector.shape_cast %get3A_86 : vector<512xf32> to vector<1x512xf32>
    %get3A_88 = arith.constant 1 : index
    %get3A_89 = arith.constant 1 : index
    %get3A_90 = arith.constant 0 : index
    %get3A_91 = vector.load %arg1[%get3A_88, %get3A_89, %get3A_90] : memref<16x4x512xf32, #tpu.memory_space<vmem>>, vector<1x1x512xf32>
    %get3A_92 = vector.shape_cast %get3A_91 : vector<1x1x512xf32> to vector<512xf32>
    %reshape3A_93 = vector.shape_cast %get3A_92 : vector<512xf32> to vector<1x512xf32>
    %get3A_94 = arith.constant 1 : index
    %get3A_95 = arith.constant 2 : index
    %get3A_96 = arith.constant 0 : index
    %get3A_97 = vector.load %arg1[%get3A_94, %get3A_95, %get3A_96] : memref<16x4x512xf32, #tpu.memory_space<vmem>>, vector<1x1x512xf32>
    %get3A_98 = vector.shape_cast %get3A_97 : vector<1x1x512xf32> to vector<512xf32>
    %reshape3A_99 = vector.shape_cast %get3A_98 : vector<512xf32> to vector<1x512xf32>
    %get3A_100 = arith.constant 1 : index
    %get3A_101 = arith.constant 3 : index
    %get3A_102 = arith.constant 0 : index
    %get3A_103 = vector.load %arg1[%get3A_100, %get3A_101, %get3A_102] : memref<16x4x512xf32, #tpu.memory_space<vmem>>, vector<1x1x512xf32>
    %get3A_104 = vector.shape_cast %get3A_103 : vector<1x1x512xf32> to vector<512xf32>
    %reshape3A_105 = vector.shape_cast %get3A_104 : vector<512xf32> to vector<1x512xf32>
    %sub3A_106 = arith.subf %reshape3A_87, %get3A_20 : vector<1x512xf32>
    %sub3A_107 = arith.subf %reshape3A_93, %get3A_23 : vector<1x512xf32>
    %sub3A_108 = arith.subf %reshape3A_99, %get3A_26 : vector<1x512xf32>
    %mul3A_109 = arith.mulf %sub3A_106, %sub3A_106 : vector<1x512xf32>
    %mul3A_110 = arith.mulf %sub3A_107, %sub3A_107 : vector<1x512xf32>
    %add3A_111 = arith.addf %mul3A_109, %mul3A_110 : vector<1x512xf32>
    %mul3A_112 = arith.mulf %sub3A_108, %sub3A_108 : vector<1x512xf32>
    %add3A_113 = arith.addf %add3A_111, %mul3A_112 : vector<1x512xf32>
    %add3A_114 = arith.constant 9.99999997E-7 : f32
    %add3A_115 = vector.broadcast %add3A_114 : f32 to vector<1x512xf32>
    %add3A_116 = arith.addf %add3A_113, %add3A_115 : vector<1x512xf32>
    %sqrt3A_117 = math.sqrt %add3A_116 : vector<1x512xf32>
    %sub3A_118 = vector.broadcast %sqrt3A_117 : vector<1x512xf32> to vector<32x512xf32>
    %sub3A_119 = vector.broadcast %get3A_1 : vector<32x1xf32> to vector<32x512xf32>
    %sub3A_120 = arith.subf %sub3A_118, %sub3A_119 : vector<32x512xf32>
    %mul3A_121 = vector.broadcast %get3A_4 : vector<32x1xf32> to vector<32x512xf32>
    %mul3A_122 = arith.mulf %sub3A_120, %mul3A_121 : vector<32x512xf32>
    %mul3A_123 = arith.mulf %mul3A_122, %mul3A_122 : vector<32x512xf32>
    %mul3A_124 = arith.constant -5.000000e-01 : f32
    %mul3A_125 = vector.broadcast %mul3A_124 : f32 to vector<32x512xf32>
    %mul3A_126 = arith.mulf %mul3A_125, %mul3A_123 : vector<32x512xf32>
    %exp3A_127 = math.exp %mul3A_126 : vector<32x512xf32>
    %eq3A_128 = vector.broadcast %reshape3A_105 : vector<1x512xf32> to vector<48x512xf32>
    %eq3A_129 = arith.cmpf oeq, %eq3A_128, %convert_element_type3A : vector<48x512xf32>
    %convert_element_type3A_130 = arith.extui %eq3A_129 : vector<48x512xi1> to vector<48x512xi32>
    %convert_element_type3A_131 = arith.sitofp %convert_element_type3A_130 : vector<48x512xi32> to vector<48x512xf32>
    %concatenate3A_132 = tpu.concatenate %exp3A_127, %convert_element_type3A_131 in 0 : vector<32x512xf32>, vector<48x512xf32> -> vector<80x512xf32>
    %dot_general3A_133 = arith.constant dense<0.000000e+00> : vector<64x512xf32>
    %dot_general3A_134 = tpu.matmul %concatenate3A, %concatenate3A_132, %dot_general3A_133 {dimension_numbers = #tpu.dot_dimension_numbers<[1], [0], [0], [1], [0, 0, 1, 1], [], []>, transpose_lhs_hint = false} : vector<64x80xf32>, vector<80x512xf32>, vector<64x512xf32> -> vector<64x512xf32>
    %max3A_135 = arith.constant 0.000000e+00 : f32
    %max3A_136 = vector.broadcast %max3A_135 : f32 to vector<64x512xf32>
    %max3A_137 = arith.maximumf %dot_general3A_134, %max3A_136 : vector<64x512xf32>
    %swap3A_138 = arith.constant 0 : index
    %swap3A_139 = arith.constant 512 : index
    %swap3A_140 = vector.load %arg13[%swap3A_138, %swap3A_139] : memref<64x8192xf32, #tpu.memory_space<vmem>>, vector<64x512xf32>
    tpu.vector_store %arg13[%swap3A_138, %swap3A_139], %max3A_137 {strides = array<i32>} : memref<64x8192xf32, #tpu.memory_space<vmem>>, vector<64x512xf32>,
    %dot_general3A_141 = arith.constant dense<0.000000e+00> : vector<1x512xf32>
    %dot_general3A_142 = tpu.matmul %get3A_17, %max3A_137, %dot_general3A_141 {dimension_numbers = #tpu.dot_dimension_numbers<[1], [0], [0], [1], [0, 0, 1, 1], [], []>, transpose_lhs_hint = false} : vector<1x64xf32>, vector<64x512xf32>, vector<1x512xf32> -> vector<1x512xf32>
    %swap3A_143 = arith.constant 1 : index
    %swap3A_144 = arith.constant 0 : index
    %swap3A_145 = vector.load %arg14[%swap3A_143, %swap3A_144] : memref<16x512xf32, #tpu.memory_space<vmem>>, vector<1x512xf32>
    tpu.vector_store %arg14[%swap3A_143, %swap3A_144], %dot_general3A_142 {strides = array<i32>} : memref<16x512xf32, #tpu.memory_space<vmem>>, vector<1x512xf32>,
    %get3A_146 = arith.constant 2 : index
    %get3A_147 = arith.constant 0 : index
    %get3A_148 = arith.constant 0 : index
    %get3A_149 = vector.load %arg1[%get3A_146, %get3A_147, %get3A_148] : memref<16x4x512xf32, #tpu.memory_space<vmem>>, vector<1x1x512xf32>
    %get3A_150 = vector.shape_cast %get3A_149 : vector<1x1x512xf32> to vector<512xf32>
    %reshape3A_151 = vector.shape_cast %get3A_150 : vector<512xf32> to vector<1x512xf32>
    %get3A_152 = arith.constant 2 : index
    %get3A_153 = arith.constant 1 : index
    %get3A_154 = arith.constant 0 : index
    %get3A_155 = vector.load %arg1[%get3A_152, %get3A_153, %get3A_154] : memref<16x4x512xf32, #tpu.memory_space<vmem>>, vector<1x1x512xf32>
    %get3A_156 = vector.shape_cast %get3A_155 : vector<1x1x512xf32> to vector<512xf32>
    %reshape3A_157 = vector.shape_cast %get3A_156 : vector<512xf32> to vector<1x512xf32>
    %get3A_158 = arith.constant 2 : index
    %get3A_159 = arith.constant 2 : index
    %get3A_160 = arith.constant 0 : index
    %get3A_161 = vector.load %arg1[%get3A_158, %get3A_159, %get3A_160] : memref<16x4x512xf32, #tpu.memory_space<vmem>>, vector<1x1x512xf32>
    %get3A_162 = vector.shape_cast %get3A_161 : vector<1x1x512xf32> to vector<512xf32>
    %reshape3A_163 = vector.shape_cast %get3A_162 : vector<512xf32> to vector<1x512xf32>
    %get3A_164 = arith.constant 2 : index
    %get3A_165 = arith.constant 3 : index
    %get3A_166 = arith.constant 0 : index
    %get3A_167 = vector.load %arg1[%get3A_164, %get3A_165, %get3A_166] : memref<16x4x512xf32, #tpu.memory_space<vmem>>, vector<1x1x512xf32>
    %get3A_168 = vector.shape_cast %get3A_167 : vector<1x1x512xf32> to vector<512xf32>
    %reshape3A_169 = vector.shape_cast %get3A_168 : vector<512xf32> to vector<1x512xf32>
    %sub3A_170 = arith.subf %reshape3A_151, %get3A_20 : vector<1x512xf32>
    %sub3A_171 = arith.subf %reshape3A_157, %get3A_23 : vector<1x512xf32>
    %sub3A_172 = arith.subf %reshape3A_163, %get3A_26 : vector<1x512xf32>
    %mul3A_173 = arith.mulf %sub3A_170, %sub3A_170 : vector<1x512xf32>
    %mul3A_174 = arith.mulf %sub3A_171, %sub3A_171 : vector<1x512xf32>
    %add3A_175 = arith.addf %mul3A_173, %mul3A_174 : vector<1x512xf32>
    %mul3A_176 = arith.mulf %sub3A_172, %sub3A_172 : vector<1x512xf32>
    %add3A_177 = arith.addf %add3A_175, %mul3A_176 : vector<1x512xf32>
    %add3A_178 = arith.constant 9.99999997E-7 : f32
    %add3A_179 = vector.broadcast %add3A_178 : f32 to vector<1x512xf32>
    %add3A_180 = arith.addf %add3A_177, %add3A_179 : vector<1x512xf32>
    %sqrt3A_181 = math.sqrt %add3A_180 : vector<1x512xf32>
    %sub3A_182 = vector.broadcast %sqrt3A_181 : vector<1x512xf32> to vector<32x512xf32>
    %sub3A_183 = vector.broadcast %get3A_1 : vector<32x1xf32> to vector<32x512xf32>
    %sub3A_184 = arith.subf %sub3A_182, %sub3A_183 : vector<32x512xf32>
    %mul3A_185 = vector.broadcast %get3A_4 : vector<32x1xf32> to vector<32x512xf32>
    %mul3A_186 = arith.mulf %sub3A_184, %mul3A_185 : vector<32x512xf32>
    %mul3A_187 = arith.mulf %mul3A_186, %mul3A_186 : vector<32x512xf32>
    %mul3A_188 = arith.constant -5.000000e-01 : f32
    %mul3A_189 = vector.broadcast %mul3A_188 : f32 to vector<32x512xf32>
    %mul3A_190 = arith.mulf %mul3A_189, %mul3A_187 : vector<32x512xf32>
    %exp3A_191 = math.exp %mul3A_190 : vector<32x512xf32>
    %eq3A_192 = vector.broadcast %reshape3A_169 : vector<1x512xf32> to vector<48x512xf32>
    %eq3A_193 = arith.cmpf oeq, %eq3A_192, %convert_element_type3A : vector<48x512xf32>
    %convert_element_type3A_194 = arith.extui %eq3A_193 : vector<48x512xi1> to vector<48x512xi32>
    %convert_element_type3A_195 = arith.sitofp %convert_element_type3A_194 : vector<48x512xi32> to vector<48x512xf32>
    %concatenate3A_196 = tpu.concatenate %exp3A_191, %convert_element_type3A_195 in 0 : vector<32x512xf32>, vector<48x512xf32> -> vector<80x512xf32>
    %dot_general3A_197 = arith.constant dense<0.000000e+00> : vector<64x512xf32>
    %dot_general3A_198 = tpu.matmul %concatenate3A, %concatenate3A_196, %dot_general3A_197 {dimension_numbers = #tpu.dot_dimension_numbers<[1], [0], [0], [1], [0, 0, 1, 1], [], []>, transpose_lhs_hint = false} : vector<64x80xf32>, vector<80x512xf32>, vector<64x512xf32> -> vector<64x512xf32>
    %max3A_199 = arith.constant 0.000000e+00 : f32
    %max3A_200 = vector.broadcast %max3A_199 : f32 to vector<64x512xf32>
    %max3A_201 = arith.maximumf %dot_general3A_198, %max3A_200 : vector<64x512xf32>
    %swap3A_202 = arith.constant 0 : index
    %swap3A_203 = arith.constant 1024 : index
    %swap3A_204 = vector.load %arg13[%swap3A_202, %swap3A_203] : memref<64x8192xf32, #tpu.memory_space<vmem>>, vector<64x512xf32>
    tpu.vector_store %arg13[%swap3A_202, %swap3A_203], %max3A_201 {strides = array<i32>} : memref<64x8192xf32, #tpu.memory_space<vmem>>, vector<64x512xf32>,
    %dot_general3A_205 = arith.constant dense<0.000000e+00> : vector<1x512xf32>
    %dot_general3A_206 = tpu.matmul %get3A_17, %max3A_201, %dot_general3A_205 {dimension_numbers = #tpu.dot_dimension_numbers<[1], [0], [0], [1], [0, 0, 1, 1], [], []>, transpose_lhs_hint = false} : vector<1x64xf32>, vector<64x512xf32>, vector<1x512xf32> -> vector<1x512xf32>
    %swap3A_207 = arith.constant 2 : index
    %swap3A_208 = arith.constant 0 : index
    %swap3A_209 = vector.load %arg14[%swap3A_207, %swap3A_208] : memref<16x512xf32, #tpu.memory_space<vmem>>, vector<1x512xf32>
    tpu.vector_store %arg14[%swap3A_207, %swap3A_208], %dot_general3A_206 {strides = array<i32>} : memref<16x512xf32, #tpu.memory_space<vmem>>, vector<1x512xf32>,
    %get3A_210 = arith.constant 3 : index
    %get3A_211 = arith.constant 0 : index
    %get3A_212 = arith.constant 0 : index
    %get3A_213 = vector.load %arg1[%get3A_210, %get3A_211, %get3A_212] : memref<16x4x512xf32, #tpu.memory_space<vmem>>, vector<1x1x512xf32>
    %get3A_214 = vector.shape_cast %get3A_213 : vector<1x1x512xf32> to vector<512xf32>
    %reshape3A_215 = vector.shape_cast %get3A_214 : vector<512xf32> to vector<1x512xf32>
    %get3A_216 = arith.constant 3 : index
    %get3A_217 = arith.constant 1 : index
    %get3A_218 = arith.constant 0 : index
    %get3A_219 = vector.load %arg1[%get3A_216, %get3A_217, %get3A_218] : memref<16x4x512xf32, #tpu.memory_space<vmem>>, vector<1x1x512xf32>
    %get3A_220 = vector.shape_cast %get3A_219 : vector<1x1x512xf32> to vector<512xf32>
    %reshape3A_221 = vector.shape_cast %get3A_220 : vector<512xf32> to vector<1x512xf32>
    %get3A_222 = arith.constant 3 : index
    %get3A_223 = arith.constant 2 : index
    %get3A_224 = arith.constant 0 : index
    %get3A_225 = vector.load %arg1[%get3A_222, %get3A_223, %get3A_224] : memref<16x4x512xf32, #tpu.memory_space<vmem>>, vector<1x1x512xf32>
    %get3A_226 = vector.shape_cast %get3A_225 : vector<1x1x512xf32> to vector<512xf32>
    %reshape3A_227 = vector.shape_cast %get3A_226 : vector<512xf32> to vector<1x512xf32>
    %get3A_228 = arith.constant 3 : index
    %get3A_229 = arith.constant 3 : index
    %get3A_230 = arith.constant 0 : index
    %get3A_231 = vector.load %arg1[%get3A_228, %get3A_229, %get3A_230] : memref<16x4x512xf32, #tpu.memory_space<vmem>>, vector<1x1x512xf32>
    %get3A_232 = vector.shape_cast %get3A_231 : vector<1x1x512xf32> to vector<512xf32>
    %reshape3A_233 = vector.shape_cast %get3A_232 : vector<512xf32> to vector<1x512xf32>
    %sub3A_234 = arith.subf %reshape3A_215, %get3A_20 : vector<1x512xf32>
    %sub3A_235 = arith.subf %reshape3A_221, %get3A_23 : vector<1x512xf32>
    %sub3A_236 = arith.subf %reshape3A_227, %get3A_26 : vector<1x512xf32>
    %mul3A_237 = arith.mulf %sub3A_234, %sub3A_234 : vector<1x512xf32>
    %mul3A_238 = arith.mulf %sub3A_235, %sub3A_235 : vector<1x512xf32>
    %add3A_239 = arith.addf %mul3A_237, %mul3A_238 : vector<1x512xf32>
    %mul3A_240 = arith.mulf %sub3A_236, %sub3A_236 : vector<1x512xf32>
    %add3A_241 = arith.addf %add3A_239, %mul3A_240 : vector<1x512xf32>
    %add3A_242 = arith.constant 9.99999997E-7 : f32
    %add3A_243 = vector.broadcast %add3A_242 : f32 to vector<1x512xf32>
    %add3A_244 = arith.addf %add3A_241, %add3A_243 : vector<1x512xf32>
    %sqrt3A_245 = math.sqrt %add3A_244 : vector<1x512xf32>
    %sub3A_246 = vector.broadcast %sqrt3A_245 : vector<1x512xf32> to vector<32x512xf32>
    %sub3A_247 = vector.broadcast %get3A_1 : vector<32x1xf32> to vector<32x512xf32>
    %sub3A_248 = arith.subf %sub3A_246, %sub3A_247 : vector<32x512xf32>
    %mul3A_249 = vector.broadcast %get3A_4 : vector<32x1xf32> to vector<32x512xf32>
    %mul3A_250 = arith.mulf %sub3A_248, %mul3A_249 : vector<32x512xf32>
    %mul3A_251 = arith.mulf %mul3A_250, %mul3A_250 : vector<32x512xf32>
    %mul3A_252 = arith.constant -5.000000e-01 : f32
    %mul3A_253 = vector.broadcast %mul3A_252 : f32 to vector<32x512xf32>
    %mul3A_254 = arith.mulf %mul3A_253, %mul3A_251 : vector<32x512xf32>
    %exp3A_255 = math.exp %mul3A_254 : vector<32x512xf32>
    %eq3A_256 = vector.broadcast %reshape3A_233 : vector<1x512xf32> to vector<48x512xf32>
    %eq3A_257 = arith.cmpf oeq, %eq3A_256, %convert_element_type3A : vector<48x512xf32>
    %convert_element_type3A_258 = arith.extui %eq3A_257 : vector<48x512xi1> to vector<48x512xi32>
    %convert_element_type3A_259 = arith.sitofp %convert_element_type3A_258 : vector<48x512xi32> to vector<48x512xf32>
    %concatenate3A_260 = tpu.concatenate %exp3A_255, %convert_element_type3A_259 in 0 : vector<32x512xf32>, vector<48x512xf32> -> vector<80x512xf32>
    %dot_general3A_261 = arith.constant dense<0.000000e+00> : vector<64x512xf32>
    %dot_general3A_262 = tpu.matmul %concatenate3A, %concatenate3A_260, %dot_general3A_261 {dimension_numbers = #tpu.dot_dimension_numbers<[1], [0], [0], [1], [0, 0, 1, 1], [], []>, transpose_lhs_hint = false} : vector<64x80xf32>, vector<80x512xf32>, vector<64x512xf32> -> vector<64x512xf32>
    %max3A_263 = arith.constant 0.000000e+00 : f32
    %max3A_264 = vector.broadcast %max3A_263 : f32 to vector<64x512xf32>
    %max3A_265 = arith.maximumf %dot_general3A_262, %max3A_264 : vector<64x512xf32>
    %swap3A_266 = arith.constant 0 : index
    %swap3A_267 = arith.constant 1536 : index
    %swap3A_268 = vector.load %arg13[%swap3A_266, %swap3A_267] : memref<64x8192xf32, #tpu.memory_space<vmem>>, vector<64x512xf32>
    tpu.vector_store %arg13[%swap3A_266, %swap3A_267], %max3A_265 {strides = array<i32>} : memref<64x8192xf32, #tpu.memory_space<vmem>>, vector<64x512xf32>,
    %dot_general3A_269 = arith.constant dense<0.000000e+00> : vector<1x512xf32>
    %dot_general3A_270 = tpu.matmul %get3A_17, %max3A_265, %dot_general3A_269 {dimension_numbers = #tpu.dot_dimension_numbers<[1], [0], [0], [1], [0, 0, 1, 1], [], []>, transpose_lhs_hint = false} : vector<1x64xf32>, vector<64x512xf32>, vector<1x512xf32> -> vector<1x512xf32>
    %swap3A_271 = arith.constant 3 : index
    %swap3A_272 = arith.constant 0 : index
    %swap3A_273 = vector.load %arg14[%swap3A_271, %swap3A_272] : memref<16x512xf32, #tpu.memory_space<vmem>>, vector<1x512xf32>
    tpu.vector_store %arg14[%swap3A_271, %swap3A_272], %dot_general3A_270 {strides = array<i32>} : memref<16x512xf32, #tpu.memory_space<vmem>>, vector<1x512xf32>,
    %get3A_274 = arith.constant 4 : index
    %get3A_275 = arith.constant 0 : index
    %get3A_276 = arith.constant 0 : index
    %get3A_277 = vector.load %arg1[%get3A_274, %get3A_275, %get3A_276] : memref<16x4x512xf32, #tpu.memory_space<vmem>>, vector<1x1x512xf32>
    %get3A_278 = vector.shape_cast %get3A_277 : vector<1x1x512xf32> to vector<512xf32>
    %reshape3A_279 = vector.shape_cast %get3A_278 : vector<512xf32> to vector<1x512xf32>
    %get3A_280 = arith.constant 4 : index
    %get3A_281 = arith.constant 1 : index
    %get3A_282 = arith.constant 0 : index
    %get3A_283 = vector.load %arg1[%get3A_280, %get3A_281, %get3A_282] : memref<16x4x512xf32, #tpu.memory_space<vmem>>, vector<1x1x512xf32>
    %get3A_284 = vector.shape_cast %get3A_283 : vector<1x1x512xf32> to vector<512xf32>
    %reshape3A_285 = vector.shape_cast %get3A_284 : vector<512xf32> to vector<1x512xf32>
    %get3A_286 = arith.constant 4 : index
    %get3A_287 = arith.constant 2 : index
    %get3A_288 = arith.constant 0 : index
    %get3A_289 = vector.load %arg1[%get3A_286, %get3A_287, %get3A_288] : memref<16x4x512xf32, #tpu.memory_space<vmem>>, vector<1x1x512xf32>
    %get3A_290 = vector.shape_cast %get3A_289 : vector<1x1x512xf32> to vector<512xf32>
    %reshape3A_291 = vector.shape_cast %get3A_290 : vector<512xf32> to vector<1x512xf32>
    %get3A_292 = arith.constant 4 : index
    %get3A_293 = arith.constant 3 : index
    %get3A_294 = arith.constant 0 : index
    %get3A_295 = vector.load %arg1[%get3A_292, %get3A_293, %get3A_294] : memref<16x4x512xf32, #tpu.memory_space<vmem>>, vector<1x1x512xf32>
    %get3A_296 = vector.shape_cast %get3A_295 : vector<1x1x512xf32> to vector<512xf32>
    %reshape3A_297 = vector.shape_cast %get3A_296 : vector<512xf32> to vector<1x512xf32>
    %sub3A_298 = arith.subf %reshape3A_279, %get3A_20 : vector<1x512xf32>
    %sub3A_299 = arith.subf %reshape3A_285, %get3A_23 : vector<1x512xf32>
    %sub3A_300 = arith.subf %reshape3A_291, %get3A_26 : vector<1x512xf32>
    %mul3A_301 = arith.mulf %sub3A_298, %sub3A_298 : vector<1x512xf32>
    %mul3A_302 = arith.mulf %sub3A_299, %sub3A_299 : vector<1x512xf32>
    %add3A_303 = arith.addf %mul3A_301, %mul3A_302 : vector<1x512xf32>
    %mul3A_304 = arith.mulf %sub3A_300, %sub3A_300 : vector<1x512xf32>
    %add3A_305 = arith.addf %add3A_303, %mul3A_304 : vector<1x512xf32>
    %add3A_306 = arith.constant 9.99999997E-7 : f32
    %add3A_307 = vector.broadcast %add3A_306 : f32 to vector<1x512xf32>
    %add3A_308 = arith.addf %add3A_305, %add3A_307 : vector<1x512xf32>
    %sqrt3A_309 = math.sqrt %add3A_308 : vector<1x512xf32>
    %sub3A_310 = vector.broadcast %sqrt3A_309 : vector<1x512xf32> to vector<32x512xf32>
    %sub3A_311 = vector.broadcast %get3A_1 : vector<32x1xf32> to vector<32x512xf32>
    %sub3A_312 = arith.subf %sub3A_310, %sub3A_311 : vector<32x512xf32>
    %mul3A_313 = vector.broadcast %get3A_4 : vector<32x1xf32> to vector<32x512xf32>
    %mul3A_314 = arith.mulf %sub3A_312, %mul3A_313 : vector<32x512xf32>
    %mul3A_315 = arith.mulf %mul3A_314, %mul3A_314 : vector<32x512xf32>
    %mul3A_316 = arith.constant -5.000000e-01 : f32
    %mul3A_317 = vector.broadcast %mul3A_316 : f32 to vector<32x512xf32>
    %mul3A_318 = arith.mulf %mul3A_317, %mul3A_315 : vector<32x512xf32>
    %exp3A_319 = math.exp %mul3A_318 : vector<32x512xf32>
    %eq3A_320 = vector.broadcast %reshape3A_297 : vector<1x512xf32> to vector<48x512xf32>
    %eq3A_321 = arith.cmpf oeq, %eq3A_320, %convert_element_type3A : vector<48x512xf32>
    %convert_element_type3A_322 = arith.extui %eq3A_321 : vector<48x512xi1> to vector<48x512xi32>
    %convert_element_type3A_323 = arith.sitofp %convert_element_type3A_322 : vector<48x512xi32> to vector<48x512xf32>
    %concatenate3A_324 = tpu.concatenate %exp3A_319, %convert_element_type3A_323 in 0 : vector<32x512xf32>, vector<48x512xf32> -> vector<80x512xf32>
    %dot_general3A_325 = arith.constant dense<0.000000e+00> : vector<64x512xf32>
    %dot_general3A_326 = tpu.matmul %concatenate3A, %concatenate3A_324, %dot_general3A_325 {dimension_numbers = #tpu.dot_dimension_numbers<[1], [0], [0], [1], [0, 0, 1, 1], [], []>, transpose_lhs_hint = false} : vector<64x80xf32>, vector<80x512xf32>, vector<64x512xf32> -> vector<64x512xf32>
    %max3A_327 = arith.constant 0.000000e+00 : f32
    %max3A_328 = vector.broadcast %max3A_327 : f32 to vector<64x512xf32>
    %max3A_329 = arith.maximumf %dot_general3A_326, %max3A_328 : vector<64x512xf32>
    %swap3A_330 = arith.constant 0 : index
    %swap3A_331 = arith.constant 2048 : index
    %swap3A_332 = vector.load %arg13[%swap3A_330, %swap3A_331] : memref<64x8192xf32, #tpu.memory_space<vmem>>, vector<64x512xf32>
    tpu.vector_store %arg13[%swap3A_330, %swap3A_331], %max3A_329 {strides = array<i32>} : memref<64x8192xf32, #tpu.memory_space<vmem>>, vector<64x512xf32>,
    %dot_general3A_333 = arith.constant dense<0.000000e+00> : vector<1x512xf32>
    %dot_general3A_334 = tpu.matmul %get3A_17, %max3A_329, %dot_general3A_333 {dimension_numbers = #tpu.dot_dimension_numbers<[1], [0], [0], [1], [0, 0, 1, 1], [], []>, transpose_lhs_hint = false} : vector<1x64xf32>, vector<64x512xf32>, vector<1x512xf32> -> vector<1x512xf32>
    %swap3A_335 = arith.constant 4 : index
    %swap3A_336 = arith.constant 0 : index
    %swap3A_337 = vector.load %arg14[%swap3A_335, %swap3A_336] : memref<16x512xf32, #tpu.memory_space<vmem>>, vector<1x512xf32>
    tpu.vector_store %arg14[%swap3A_335, %swap3A_336], %dot_general3A_334 {strides = array<i32>} : memref<16x512xf32, #tpu.memory_space<vmem>>, vector<1x512xf32>,
    %get3A_338 = arith.constant 5 : index
    %get3A_339 = arith.constant 0 : index
    %get3A_340 = arith.constant 0 : index
    %get3A_341 = vector.load %arg1[%get3A_338, %get3A_339, %get3A_340] : memref<16x4x512xf32, #tpu.memory_space<vmem>>, vector<1x1x512xf32>
    %get3A_342 = vector.shape_cast %get3A_341 : vector<1x1x512xf32> to vector<512xf32>
    %reshape3A_343 = vector.shape_cast %get3A_342 : vector<512xf32> to vector<1x512xf32>
    %get3A_344 = arith.constant 5 : index
    %get3A_345 = arith.constant 1 : index
    %get3A_346 = arith.constant 0 : index
    %get3A_347 = vector.load %arg1[%get3A_344, %get3A_345, %get3A_346] : memref<16x4x512xf32, #tpu.memory_space<vmem>>, vector<1x1x512xf32>
    %get3A_348 = vector.shape_cast %get3A_347 : vector<1x1x512xf32> to vector<512xf32>
    %reshape3A_349 = vector.shape_cast %get3A_348 : vector<512xf32> to vector<1x512xf32>
    %get3A_350 = arith.constant 5 : index
    %get3A_351 = arith.constant 2 : index
    %get3A_352 = arith.constant 0 : index
    %get3A_353 = vector.load %arg1[%get3A_350, %get3A_351, %get3A_352] : memref<16x4x512xf32, #tpu.memory_space<vmem>>, vector<1x1x512xf32>
    %get3A_354 = vector.shape_cast %get3A_353 : vector<1x1x512xf32> to vector<512xf32>
    %reshape3A_355 = vector.shape_cast %get3A_354 : vector<512xf32> to vector<1x512xf32>
    %get3A_356 = arith.constant 5 : index
    %get3A_357 = arith.constant 3 : index
    %get3A_358 = arith.constant 0 : index
    %get3A_359 = vector.load %arg1[%get3A_356, %get3A_357, %get3A_358] : memref<16x4x512xf32, #tpu.memory_space<vmem>>, vector<1x1x512xf32>
    %get3A_360 = vector.shape_cast %get3A_359 : vector<1x1x512xf32> to vector<512xf32>
    %reshape3A_361 = vector.shape_cast %get3A_360 : vector<512xf32> to vector<1x512xf32>
    %sub3A_362 = arith.subf %reshape3A_343, %get3A_20 : vector<1x512xf32>
    %sub3A_363 = arith.subf %reshape3A_349, %get3A_23 : vector<1x512xf32>
    %sub3A_364 = arith.subf %reshape3A_355, %get3A_26 : vector<1x512xf32>
    %mul3A_365 = arith.mulf %sub3A_362, %sub3A_362 : vector<1x512xf32>
    %mul3A_366 = arith.mulf %sub3A_363, %sub3A_363 : vector<1x512xf32>
    %add3A_367 = arith.addf %mul3A_365, %mul3A_366 : vector<1x512xf32>
    %mul3A_368 = arith.mulf %sub3A_364, %sub3A_364 : vector<1x512xf32>
    %add3A_369 = arith.addf %add3A_367, %mul3A_368 : vector<1x512xf32>
    %add3A_370 = arith.constant 9.99999997E-7 : f32
    %add3A_371 = vector.broadcast %add3A_370 : f32 to vector<1x512xf32>
    %add3A_372 = arith.addf %add3A_369, %add3A_371 : vector<1x512xf32>
    %sqrt3A_373 = math.sqrt %add3A_372 : vector<1x512xf32>
    %sub3A_374 = vector.broadcast %sqrt3A_373 : vector<1x512xf32> to vector<32x512xf32>
    %sub3A_375 = vector.broadcast %get3A_1 : vector<32x1xf32> to vector<32x512xf32>
    %sub3A_376 = arith.subf %sub3A_374, %sub3A_375 : vector<32x512xf32>
    %mul3A_377 = vector.broadcast %get3A_4 : vector<32x1xf32> to vector<32x512xf32>
    %mul3A_378 = arith.mulf %sub3A_376, %mul3A_377 : vector<32x512xf32>
    %mul3A_379 = arith.mulf %mul3A_378, %mul3A_378 : vector<32x512xf32>
    %mul3A_380 = arith.constant -5.000000e-01 : f32
    %mul3A_381 = vector.broadcast %mul3A_380 : f32 to vector<32x512xf32>
    %mul3A_382 = arith.mulf %mul3A_381, %mul3A_379 : vector<32x512xf32>
    %exp3A_383 = math.exp %mul3A_382 : vector<32x512xf32>
    %eq3A_384 = vector.broadcast %reshape3A_361 : vector<1x512xf32> to vector<48x512xf32>
    %eq3A_385 = arith.cmpf oeq, %eq3A_384, %convert_element_type3A : vector<48x512xf32>
    %convert_element_type3A_386 = arith.extui %eq3A_385 : vector<48x512xi1> to vector<48x512xi32>
    %convert_element_type3A_387 = arith.sitofp %convert_element_type3A_386 : vector<48x512xi32> to vector<48x512xf32>
    %concatenate3A_388 = tpu.concatenate %exp3A_383, %convert_element_type3A_387 in 0 : vector<32x512xf32>, vector<48x512xf32> -> vector<80x512xf32>
    %dot_general3A_389 = arith.constant dense<0.000000e+00> : vector<64x512xf32>
    %dot_general3A_390 = tpu.matmul %concatenate3A, %concatenate3A_388, %dot_general3A_389 {dimension_numbers = #tpu.dot_dimension_numbers<[1], [0], [0], [1], [0, 0, 1, 1], [], []>, transpose_lhs_hint = false} : vector<64x80xf32>, vector<80x512xf32>, vector<64x512xf32> -> vector<64x512xf32>
    %max3A_391 = arith.constant 0.000000e+00 : f32
    %max3A_392 = vector.broadcast %max3A_391 : f32 to vector<64x512xf32>
    %max3A_393 = arith.maximumf %dot_general3A_390, %max3A_392 : vector<64x512xf32>
    %swap3A_394 = arith.constant 0 : index
    %swap3A_395 = arith.constant 2560 : index
    %swap3A_396 = vector.load %arg13[%swap3A_394, %swap3A_395] : memref<64x8192xf32, #tpu.memory_space<vmem>>, vector<64x512xf32>
    tpu.vector_store %arg13[%swap3A_394, %swap3A_395], %max3A_393 {strides = array<i32>} : memref<64x8192xf32, #tpu.memory_space<vmem>>, vector<64x512xf32>,
    %dot_general3A_397 = arith.constant dense<0.000000e+00> : vector<1x512xf32>
    %dot_general3A_398 = tpu.matmul %get3A_17, %max3A_393, %dot_general3A_397 {dimension_numbers = #tpu.dot_dimension_numbers<[1], [0], [0], [1], [0, 0, 1, 1], [], []>, transpose_lhs_hint = false} : vector<1x64xf32>, vector<64x512xf32>, vector<1x512xf32> -> vector<1x512xf32>
    %swap3A_399 = arith.constant 5 : index
    %swap3A_400 = arith.constant 0 : index
    %swap3A_401 = vector.load %arg14[%swap3A_399, %swap3A_400] : memref<16x512xf32, #tpu.memory_space<vmem>>, vector<1x512xf32>
    tpu.vector_store %arg14[%swap3A_399, %swap3A_400], %dot_general3A_398 {strides = array<i32>} : memref<16x512xf32, #tpu.memory_space<vmem>>, vector<1x512xf32>,
    %get3A_402 = arith.constant 6 : index
    %get3A_403 = arith.constant 0 : index
    %get3A_404 = arith.constant 0 : index
    %get3A_405 = vector.load %arg1[%get3A_402, %get3A_403, %get3A_404] : memref<16x4x512xf32, #tpu.memory_space<vmem>>, vector<1x1x512xf32>
    %get3A_406 = vector.shape_cast %get3A_405 : vector<1x1x512xf32> to vector<512xf32>
    %reshape3A_407 = vector.shape_cast %get3A_406 : vector<512xf32> to vector<1x512xf32>
    %get3A_408 = arith.constant 6 : index
    %get3A_409 = arith.constant 1 : index
    %get3A_410 = arith.constant 0 : index
    %get3A_411 = vector.load %arg1[%get3A_408, %get3A_409, %get3A_410] : memref<16x4x512xf32, #tpu.memory_space<vmem>>, vector<1x1x512xf32>
    %get3A_412 = vector.shape_cast %get3A_411 : vector<1x1x512xf32> to vector<512xf32>
    %reshape3A_413 = vector.shape_cast %get3A_412 : vector<512xf32> to vector<1x512xf32>
    %get3A_414 = arith.constant 6 : index
    %get3A_415 = arith.constant 2 : index
    %get3A_416 = arith.constant 0 : index
    %get3A_417 = vector.load %arg1[%get3A_414, %get3A_415, %get3A_416] : memref<16x4x512xf32, #tpu.memory_space<vmem>>, vector<1x1x512xf32>
    %get3A_418 = vector.shape_cast %get3A_417 : vector<1x1x512xf32> to vector<512xf32>
    %reshape3A_419 = vector.shape_cast %get3A_418 : vector<512xf32> to vector<1x512xf32>
    %get3A_420 = arith.constant 6 : index
    %get3A_421 = arith.constant 3 : index
    %get3A_422 = arith.constant 0 : index
    %get3A_423 = vector.load %arg1[%get3A_420, %get3A_421, %get3A_422] : memref<16x4x512xf32, #tpu.memory_space<vmem>>, vector<1x1x512xf32>
    %get3A_424 = vector.shape_cast %get3A_423 : vector<1x1x512xf32> to vector<512xf32>
    %reshape3A_425 = vector.shape_cast %get3A_424 : vector<512xf32> to vector<1x512xf32>
    %sub3A_426 = arith.subf %reshape3A_407, %get3A_20 : vector<1x512xf32>
    %sub3A_427 = arith.subf %reshape3A_413, %get3A_23 : vector<1x512xf32>
    %sub3A_428 = arith.subf %reshape3A_419, %get3A_26 : vector<1x512xf32>
    %mul3A_429 = arith.mulf %sub3A_426, %sub3A_426 : vector<1x512xf32>
    %mul3A_430 = arith.mulf %sub3A_427, %sub3A_427 : vector<1x512xf32>
    %add3A_431 = arith.addf %mul3A_429, %mul3A_430 : vector<1x512xf32>
    %mul3A_432 = arith.mulf %sub3A_428, %sub3A_428 : vector<1x512xf32>
    %add3A_433 = arith.addf %add3A_431, %mul3A_432 : vector<1x512xf32>
    %add3A_434 = arith.constant 9.99999997E-7 : f32
    %add3A_435 = vector.broadcast %add3A_434 : f32 to vector<1x512xf32>
    %add3A_436 = arith.addf %add3A_433, %add3A_435 : vector<1x512xf32>
    %sqrt3A_437 = math.sqrt %add3A_436 : vector<1x512xf32>
    %sub3A_438 = vector.broadcast %sqrt3A_437 : vector<1x512xf32> to vector<32x512xf32>
    %sub3A_439 = vector.broadcast %get3A_1 : vector<32x1xf32> to vector<32x512xf32>
    %sub3A_440 = arith.subf %sub3A_438, %sub3A_439 : vector<32x512xf32>
    %mul3A_441 = vector.broadcast %get3A_4 : vector<32x1xf32> to vector<32x512xf32>
    %mul3A_442 = arith.mulf %sub3A_440, %mul3A_441 : vector<32x512xf32>
    %mul3A_443 = arith.mulf %mul3A_442, %mul3A_442 : vector<32x512xf32>
    %mul3A_444 = arith.constant -5.000000e-01 : f32
    %mul3A_445 = vector.broadcast %mul3A_444 : f32 to vector<32x512xf32>
    %mul3A_446 = arith.mulf %mul3A_445, %mul3A_443 : vector<32x512xf32>
    %exp3A_447 = math.exp %mul3A_446 : vector<32x512xf32>
    %eq3A_448 = vector.broadcast %reshape3A_425 : vector<1x512xf32> to vector<48x512xf32>
    %eq3A_449 = arith.cmpf oeq, %eq3A_448, %convert_element_type3A : vector<48x512xf32>
    %convert_element_type3A_450 = arith.extui %eq3A_449 : vector<48x512xi1> to vector<48x512xi32>
    %convert_element_type3A_451 = arith.sitofp %convert_element_type3A_450 : vector<48x512xi32> to vector<48x512xf32>
    %concatenate3A_452 = tpu.concatenate %exp3A_447, %convert_element_type3A_451 in 0 : vector<32x512xf32>, vector<48x512xf32> -> vector<80x512xf32>
    %dot_general3A_453 = arith.constant dense<0.000000e+00> : vector<64x512xf32>
    %dot_general3A_454 = tpu.matmul %concatenate3A, %concatenate3A_452, %dot_general3A_453 {dimension_numbers = #tpu.dot_dimension_numbers<[1], [0], [0], [1], [0, 0, 1, 1], [], []>, transpose_lhs_hint = false} : vector<64x80xf32>, vector<80x512xf32>, vector<64x512xf32> -> vector<64x512xf32>
    %max3A_455 = arith.constant 0.000000e+00 : f32
    %max3A_456 = vector.broadcast %max3A_455 : f32 to vector<64x512xf32>
    %max3A_457 = arith.maximumf %dot_general3A_454, %max3A_456 : vector<64x512xf32>
    %swap3A_458 = arith.constant 0 : index
    %swap3A_459 = arith.constant 3072 : index
    %swap3A_460 = vector.load %arg13[%swap3A_458, %swap3A_459] : memref<64x8192xf32, #tpu.memory_space<vmem>>, vector<64x512xf32>
    tpu.vector_store %arg13[%swap3A_458, %swap3A_459], %max3A_457 {strides = array<i32>} : memref<64x8192xf32, #tpu.memory_space<vmem>>, vector<64x512xf32>,
    %dot_general3A_461 = arith.constant dense<0.000000e+00> : vector<1x512xf32>
    %dot_general3A_462 = tpu.matmul %get3A_17, %max3A_457, %dot_general3A_461 {dimension_numbers = #tpu.dot_dimension_numbers<[1], [0], [0], [1], [0, 0, 1, 1], [], []>, transpose_lhs_hint = false} : vector<1x64xf32>, vector<64x512xf32>, vector<1x512xf32> -> vector<1x512xf32>
    %swap3A_463 = arith.constant 6 : index
    %swap3A_464 = arith.constant 0 : index
    %swap3A_465 = vector.load %arg14[%swap3A_463, %swap3A_464] : memref<16x512xf32, #tpu.memory_space<vmem>>, vector<1x512xf32>
    tpu.vector_store %arg14[%swap3A_463, %swap3A_464], %dot_general3A_462 {strides = array<i32>} : memref<16x512xf32, #tpu.memory_space<vmem>>, vector<1x512xf32>,
    %get3A_466 = arith.constant 7 : index
    %get3A_467 = arith.constant 0 : index
    %get3A_468 = arith.constant 0 : index
    %get3A_469 = vector.load %arg1[%get3A_466, %get3A_467, %get3A_468] : memref<16x4x512xf32, #tpu.memory_space<vmem>>, vector<1x1x512xf32>
    %get3A_470 = vector.shape_cast %get3A_469 : vector<1x1x512xf32> to vector<512xf32>
    %reshape3A_471 = vector.shape_cast %get3A_470 : vector<512xf32> to vector<1x512xf32>
    %get3A_472 = arith.constant 7 : index
    %get3A_473 = arith.constant 1 : index
    %get3A_474 = arith.constant 0 : index
    %get3A_475 = vector.load %arg1[%get3A_472, %get3A_473, %get3A_474] : memref<16x4x512xf32, #tpu.memory_space<vmem>>, vector<1x1x512xf32>
    %get3A_476 = vector.shape_cast %get3A_475 : vector<1x1x512xf32> to vector<512xf32>
    %reshape3A_477 = vector.shape_cast %get3A_476 : vector<512xf32> to vector<1x512xf32>
    %get3A_478 = arith.constant 7 : index
    %get3A_479 = arith.constant 2 : index
    %get3A_480 = arith.constant 0 : index
    %get3A_481 = vector.load %arg1[%get3A_478, %get3A_479, %get3A_480] : memref<16x4x512xf32, #tpu.memory_space<vmem>>, vector<1x1x512xf32>
    %get3A_482 = vector.shape_cast %get3A_481 : vector<1x1x512xf32> to vector<512xf32>
    %reshape3A_483 = vector.shape_cast %get3A_482 : vector<512xf32> to vector<1x512xf32>
    %get3A_484 = arith.constant 7 : index
    %get3A_485 = arith.constant 3 : index
    %get3A_486 = arith.constant 0 : index
    %get3A_487 = vector.load %arg1[%get3A_484, %get3A_485, %get3A_486] : memref<16x4x512xf32, #tpu.memory_space<vmem>>, vector<1x1x512xf32>
    %get3A_488 = vector.shape_cast %get3A_487 : vector<1x1x512xf32> to vector<512xf32>
    %reshape3A_489 = vector.shape_cast %get3A_488 : vector<512xf32> to vector<1x512xf32>
    %sub3A_490 = arith.subf %reshape3A_471, %get3A_20 : vector<1x512xf32>
    %sub3A_491 = arith.subf %reshape3A_477, %get3A_23 : vector<1x512xf32>
    %sub3A_492 = arith.subf %reshape3A_483, %get3A_26 : vector<1x512xf32>
    %mul3A_493 = arith.mulf %sub3A_490, %sub3A_490 : vector<1x512xf32>
    %mul3A_494 = arith.mulf %sub3A_491, %sub3A_491 : vector<1x512xf32>
    %add3A_495 = arith.addf %mul3A_493, %mul3A_494 : vector<1x512xf32>
    %mul3A_496 = arith.mulf %sub3A_492, %sub3A_492 : vector<1x512xf32>
    %add3A_497 = arith.addf %add3A_495, %mul3A_496 : vector<1x512xf32>
    %add3A_498 = arith.constant 9.99999997E-7 : f32
    %add3A_499 = vector.broadcast %add3A_498 : f32 to vector<1x512xf32>
    %add3A_500 = arith.addf %add3A_497, %add3A_499 : vector<1x512xf32>
    %sqrt3A_501 = math.sqrt %add3A_500 : vector<1x512xf32>
    %sub3A_502 = vector.broadcast %sqrt3A_501 : vector<1x512xf32> to vector<32x512xf32>
    %sub3A_503 = vector.broadcast %get3A_1 : vector<32x1xf32> to vector<32x512xf32>
    %sub3A_504 = arith.subf %sub3A_502, %sub3A_503 : vector<32x512xf32>
    %mul3A_505 = vector.broadcast %get3A_4 : vector<32x1xf32> to vector<32x512xf32>
    %mul3A_506 = arith.mulf %sub3A_504, %mul3A_505 : vector<32x512xf32>
    %mul3A_507 = arith.mulf %mul3A_506, %mul3A_506 : vector<32x512xf32>
    %mul3A_508 = arith.constant -5.000000e-01 : f32
    %mul3A_509 = vector.broadcast %mul3A_508 : f32 to vector<32x512xf32>
    %mul3A_510 = arith.mulf %mul3A_509, %mul3A_507 : vector<32x512xf32>
    %exp3A_511 = math.exp %mul3A_510 : vector<32x512xf32>
    %eq3A_512 = vector.broadcast %reshape3A_489 : vector<1x512xf32> to vector<48x512xf32>
    %eq3A_513 = arith.cmpf oeq, %eq3A_512, %convert_element_type3A : vector<48x512xf32>
    %convert_element_type3A_514 = arith.extui %eq3A_513 : vector<48x512xi1> to vector<48x512xi32>
    %convert_element_type3A_515 = arith.sitofp %convert_element_type3A_514 : vector<48x512xi32> to vector<48x512xf32>
    %concatenate3A_516 = tpu.concatenate %exp3A_511, %convert_element_type3A_515 in 0 : vector<32x512xf32>, vector<48x512xf32> -> vector<80x512xf32>
    %dot_general3A_517 = arith.constant dense<0.000000e+00> : vector<64x512xf32>
    %dot_general3A_518 = tpu.matmul %concatenate3A, %concatenate3A_516, %dot_general3A_517 {dimension_numbers = #tpu.dot_dimension_numbers<[1], [0], [0], [1], [0, 0, 1, 1], [], []>, transpose_lhs_hint = false} : vector<64x80xf32>, vector<80x512xf32>, vector<64x512xf32> -> vector<64x512xf32>
    %max3A_519 = arith.constant 0.000000e+00 : f32
    %max3A_520 = vector.broadcast %max3A_519 : f32 to vector<64x512xf32>
    %max3A_521 = arith.maximumf %dot_general3A_518, %max3A_520 : vector<64x512xf32>
    %swap3A_522 = arith.constant 0 : index
    %swap3A_523 = arith.constant 3584 : index
    %swap3A_524 = vector.load %arg13[%swap3A_522, %swap3A_523] : memref<64x8192xf32, #tpu.memory_space<vmem>>, vector<64x512xf32>
    tpu.vector_store %arg13[%swap3A_522, %swap3A_523], %max3A_521 {strides = array<i32>} : memref<64x8192xf32, #tpu.memory_space<vmem>>, vector<64x512xf32>,
    %dot_general3A_525 = arith.constant dense<0.000000e+00> : vector<1x512xf32>
    %dot_general3A_526 = tpu.matmul %get3A_17, %max3A_521, %dot_general3A_525 {dimension_numbers = #tpu.dot_dimension_numbers<[1], [0], [0], [1], [0, 0, 1, 1], [], []>, transpose_lhs_hint = false} : vector<1x64xf32>, vector<64x512xf32>, vector<1x512xf32> -> vector<1x512xf32>
    %swap3A_527 = arith.constant 7 : index
    %swap3A_528 = arith.constant 0 : index
    %swap3A_529 = vector.load %arg14[%swap3A_527, %swap3A_528] : memref<16x512xf32, #tpu.memory_space<vmem>>, vector<1x512xf32>
    tpu.vector_store %arg14[%swap3A_527, %swap3A_528], %dot_general3A_526 {strides = array<i32>} : memref<16x512xf32, #tpu.memory_space<vmem>>, vector<1x512xf32>,
    %get3A_530 = arith.constant 8 : index
    %get3A_531 = arith.constant 0 : index
    %get3A_532 = arith.constant 0 : index
    %get3A_533 = vector.load %arg1[%get3A_530, %get3A_531, %get3A_532] : memref<16x4x512xf32, #tpu.memory_space<vmem>>, vector<1x1x512xf32>
    %get3A_534 = vector.shape_cast %get3A_533 : vector<1x1x512xf32> to vector<512xf32>
    %reshape3A_535 = vector.shape_cast %get3A_534 : vector<512xf32> to vector<1x512xf32>
    %get3A_536 = arith.constant 8 : index
    %get3A_537 = arith.constant 1 : index
    %get3A_538 = arith.constant 0 : index
    %get3A_539 = vector.load %arg1[%get3A_536, %get3A_537, %get3A_538] : memref<16x4x512xf32, #tpu.memory_space<vmem>>, vector<1x1x512xf32>
    %get3A_540 = vector.shape_cast %get3A_539 : vector<1x1x512xf32> to vector<512xf32>
    %reshape3A_541 = vector.shape_cast %get3A_540 : vector<512xf32> to vector<1x512xf32>
    %get3A_542 = arith.constant 8 : index
    %get3A_543 = arith.constant 2 : index
    %get3A_544 = arith.constant 0 : index
    %get3A_545 = vector.load %arg1[%get3A_542, %get3A_543, %get3A_544] : memref<16x4x512xf32, #tpu.memory_space<vmem>>, vector<1x1x512xf32>
    %get3A_546 = vector.shape_cast %get3A_545 : vector<1x1x512xf32> to vector<512xf32>
    %reshape3A_547 = vector.shape_cast %get3A_546 : vector<512xf32> to vector<1x512xf32>
    %get3A_548 = arith.constant 8 : index
    %get3A_549 = arith.constant 3 : index
    %get3A_550 = arith.constant 0 : index
    %get3A_551 = vector.load %arg1[%get3A_548, %get3A_549, %get3A_550] : memref<16x4x512xf32, #tpu.memory_space<vmem>>, vector<1x1x512xf32>
    %get3A_552 = vector.shape_cast %get3A_551 : vector<1x1x512xf32> to vector<512xf32>
    %reshape3A_553 = vector.shape_cast %get3A_552 : vector<512xf32> to vector<1x512xf32>
    %sub3A_554 = arith.subf %reshape3A_535, %get3A_20 : vector<1x512xf32>
    %sub3A_555 = arith.subf %reshape3A_541, %get3A_23 : vector<1x512xf32>
    %sub3A_556 = arith.subf %reshape3A_547, %get3A_26 : vector<1x512xf32>
    %mul3A_557 = arith.mulf %sub3A_554, %sub3A_554 : vector<1x512xf32>
    %mul3A_558 = arith.mulf %sub3A_555, %sub3A_555 : vector<1x512xf32>
    %add3A_559 = arith.addf %mul3A_557, %mul3A_558 : vector<1x512xf32>
    %mul3A_560 = arith.mulf %sub3A_556, %sub3A_556 : vector<1x512xf32>
    %add3A_561 = arith.addf %add3A_559, %mul3A_560 : vector<1x512xf32>
    %add3A_562 = arith.constant 9.99999997E-7 : f32
    %add3A_563 = vector.broadcast %add3A_562 : f32 to vector<1x512xf32>
    %add3A_564 = arith.addf %add3A_561, %add3A_563 : vector<1x512xf32>
    %sqrt3A_565 = math.sqrt %add3A_564 : vector<1x512xf32>
    %sub3A_566 = vector.broadcast %sqrt3A_565 : vector<1x512xf32> to vector<32x512xf32>
    %sub3A_567 = vector.broadcast %get3A_1 : vector<32x1xf32> to vector<32x512xf32>
    %sub3A_568 = arith.subf %sub3A_566, %sub3A_567 : vector<32x512xf32>
    %mul3A_569 = vector.broadcast %get3A_4 : vector<32x1xf32> to vector<32x512xf32>
    %mul3A_570 = arith.mulf %sub3A_568, %mul3A_569 : vector<32x512xf32>
    %mul3A_571 = arith.mulf %mul3A_570, %mul3A_570 : vector<32x512xf32>
    %mul3A_572 = arith.constant -5.000000e-01 : f32
    %mul3A_573 = vector.broadcast %mul3A_572 : f32 to vector<32x512xf32>
    %mul3A_574 = arith.mulf %mul3A_573, %mul3A_571 : vector<32x512xf32>
    %exp3A_575 = math.exp %mul3A_574 : vector<32x512xf32>
    %eq3A_576 = vector.broadcast %reshape3A_553 : vector<1x512xf32> to vector<48x512xf32>
    %eq3A_577 = arith.cmpf oeq, %eq3A_576, %convert_element_type3A : vector<48x512xf32>
    %convert_element_type3A_578 = arith.extui %eq3A_577 : vector<48x512xi1> to vector<48x512xi32>
    %convert_element_type3A_579 = arith.sitofp %convert_element_type3A_578 : vector<48x512xi32> to vector<48x512xf32>
    %concatenate3A_580 = tpu.concatenate %exp3A_575, %convert_element_type3A_579 in 0 : vector<32x512xf32>, vector<48x512xf32> -> vector<80x512xf32>
    %dot_general3A_581 = arith.constant dense<0.000000e+00> : vector<64x512xf32>
    %dot_general3A_582 = tpu.matmul %concatenate3A, %concatenate3A_580, %dot_general3A_581 {dimension_numbers = #tpu.dot_dimension_numbers<[1], [0], [0], [1], [0, 0, 1, 1], [], []>, transpose_lhs_hint = false} : vector<64x80xf32>, vector<80x512xf32>, vector<64x512xf32> -> vector<64x512xf32>
    %max3A_583 = arith.constant 0.000000e+00 : f32
    %max3A_584 = vector.broadcast %max3A_583 : f32 to vector<64x512xf32>
    %max3A_585 = arith.maximumf %dot_general3A_582, %max3A_584 : vector<64x512xf32>
    %swap3A_586 = arith.constant 0 : index
    %swap3A_587 = arith.constant 4096 : index
    %swap3A_588 = vector.load %arg13[%swap3A_586, %swap3A_587] : memref<64x8192xf32, #tpu.memory_space<vmem>>, vector<64x512xf32>
    tpu.vector_store %arg13[%swap3A_586, %swap3A_587], %max3A_585 {strides = array<i32>} : memref<64x8192xf32, #tpu.memory_space<vmem>>, vector<64x512xf32>,
    %dot_general3A_589 = arith.constant dense<0.000000e+00> : vector<1x512xf32>
    %dot_general3A_590 = tpu.matmul %get3A_17, %max3A_585, %dot_general3A_589 {dimension_numbers = #tpu.dot_dimension_numbers<[1], [0], [0], [1], [0, 0, 1, 1], [], []>, transpose_lhs_hint = false} : vector<1x64xf32>, vector<64x512xf32>, vector<1x512xf32> -> vector<1x512xf32>
    %swap3A_591 = arith.constant 8 : index
    %swap3A_592 = arith.constant 0 : index
    %swap3A_593 = vector.load %arg14[%swap3A_591, %swap3A_592] : memref<16x512xf32, #tpu.memory_space<vmem>>, vector<1x512xf32>
    tpu.vector_store %arg14[%swap3A_591, %swap3A_592], %dot_general3A_590 {strides = array<i32>} : memref<16x512xf32, #tpu.memory_space<vmem>>, vector<1x512xf32>,
    %get3A_594 = arith.constant 9 : index
    %get3A_595 = arith.constant 0 : index
    %get3A_596 = arith.constant 0 : index
    %get3A_597 = vector.load %arg1[%get3A_594, %get3A_595, %get3A_596] : memref<16x4x512xf32, #tpu.memory_space<vmem>>, vector<1x1x512xf32>
    %get3A_598 = vector.shape_cast %get3A_597 : vector<1x1x512xf32> to vector<512xf32>
    %reshape3A_599 = vector.shape_cast %get3A_598 : vector<512xf32> to vector<1x512xf32>
    %get3A_600 = arith.constant 9 : index
    %get3A_601 = arith.constant 1 : index
    %get3A_602 = arith.constant 0 : index
    %get3A_603 = vector.load %arg1[%get3A_600, %get3A_601, %get3A_602] : memref<16x4x512xf32, #tpu.memory_space<vmem>>, vector<1x1x512xf32>
    %get3A_604 = vector.shape_cast %get3A_603 : vector<1x1x512xf32> to vector<512xf32>
    %reshape3A_605 = vector.shape_cast %get3A_604 : vector<512xf32> to vector<1x512xf32>
    %get3A_606 = arith.constant 9 : index
    %get3A_607 = arith.constant 2 : index
    %get3A_608 = arith.constant 0 : index
    %get3A_609 = vector.load %arg1[%get3A_606, %get3A_607, %get3A_608] : memref<16x4x512xf32, #tpu.memory_space<vmem>>, vector<1x1x512xf32>
    %get3A_610 = vector.shape_cast %get3A_609 : vector<1x1x512xf32> to vector<512xf32>
    %reshape3A_611 = vector.shape_cast %get3A_610 : vector<512xf32> to vector<1x512xf32>
    %get3A_612 = arith.constant 9 : index
    %get3A_613 = arith.constant 3 : index
    %get3A_614 = arith.constant 0 : index
    %get3A_615 = vector.load %arg1[%get3A_612, %get3A_613, %get3A_614] : memref<16x4x512xf32, #tpu.memory_space<vmem>>, vector<1x1x512xf32>
    %get3A_616 = vector.shape_cast %get3A_615 : vector<1x1x512xf32> to vector<512xf32>
    %reshape3A_617 = vector.shape_cast %get3A_616 : vector<512xf32> to vector<1x512xf32>
    %sub3A_618 = arith.subf %reshape3A_599, %get3A_20 : vector<1x512xf32>
    %sub3A_619 = arith.subf %reshape3A_605, %get3A_23 : vector<1x512xf32>
    %sub3A_620 = arith.subf %reshape3A_611, %get3A_26 : vector<1x512xf32>
    %mul3A_621 = arith.mulf %sub3A_618, %sub3A_618 : vector<1x512xf32>
    %mul3A_622 = arith.mulf %sub3A_619, %sub3A_619 : vector<1x512xf32>
    %add3A_623 = arith.addf %mul3A_621, %mul3A_622 : vector<1x512xf32>
    %mul3A_624 = arith.mulf %sub3A_620, %sub3A_620 : vector<1x512xf32>
    %add3A_625 = arith.addf %add3A_623, %mul3A_624 : vector<1x512xf32>
    %add3A_626 = arith.constant 9.99999997E-7 : f32
    %add3A_627 = vector.broadcast %add3A_626 : f32 to vector<1x512xf32>
    %add3A_628 = arith.addf %add3A_625, %add3A_627 : vector<1x512xf32>
    %sqrt3A_629 = math.sqrt %add3A_628 : vector<1x512xf32>
    %sub3A_630 = vector.broadcast %sqrt3A_629 : vector<1x512xf32> to vector<32x512xf32>
    %sub3A_631 = vector.broadcast %get3A_1 : vector<32x1xf32> to vector<32x512xf32>
    %sub3A_632 = arith.subf %sub3A_630, %sub3A_631 : vector<32x512xf32>
    %mul3A_633 = vector.broadcast %get3A_4 : vector<32x1xf32> to vector<32x512xf32>
    %mul3A_634 = arith.mulf %sub3A_632, %mul3A_633 : vector<32x512xf32>
    %mul3A_635 = arith.mulf %mul3A_634, %mul3A_634 : vector<32x512xf32>
    %mul3A_636 = arith.constant -5.000000e-01 : f32
    %mul3A_637 = vector.broadcast %mul3A_636 : f32 to vector<32x512xf32>
    %mul3A_638 = arith.mulf %mul3A_637, %mul3A_635 : vector<32x512xf32>
    %exp3A_639 = math.exp %mul3A_638 : vector<32x512xf32>
    %eq3A_640 = vector.broadcast %reshape3A_617 : vector<1x512xf32> to vector<48x512xf32>
    %eq3A_641 = arith.cmpf oeq, %eq3A_640, %convert_element_type3A : vector<48x512xf32>
    %convert_element_type3A_642 = arith.extui %eq3A_641 : vector<48x512xi1> to vector<48x512xi32>
    %convert_element_type3A_643 = arith.sitofp %convert_element_type3A_642 : vector<48x512xi32> to vector<48x512xf32>
    %concatenate3A_644 = tpu.concatenate %exp3A_639, %convert_element_type3A_643 in 0 : vector<32x512xf32>, vector<48x512xf32> -> vector<80x512xf32>
    %dot_general3A_645 = arith.constant dense<0.000000e+00> : vector<64x512xf32>
    %dot_general3A_646 = tpu.matmul %concatenate3A, %concatenate3A_644, %dot_general3A_645 {dimension_numbers = #tpu.dot_dimension_numbers<[1], [0], [0], [1], [0, 0, 1, 1], [], []>, transpose_lhs_hint = false} : vector<64x80xf32>, vector<80x512xf32>, vector<64x512xf32> -> vector<64x512xf32>
    %max3A_647 = arith.constant 0.000000e+00 : f32
    %max3A_648 = vector.broadcast %max3A_647 : f32 to vector<64x512xf32>
    %max3A_649 = arith.maximumf %dot_general3A_646, %max3A_648 : vector<64x512xf32>
    %swap3A_650 = arith.constant 0 : index
    %swap3A_651 = arith.constant 4608 : index
    %swap3A_652 = vector.load %arg13[%swap3A_650, %swap3A_651] : memref<64x8192xf32, #tpu.memory_space<vmem>>, vector<64x512xf32>
    tpu.vector_store %arg13[%swap3A_650, %swap3A_651], %max3A_649 {strides = array<i32>} : memref<64x8192xf32, #tpu.memory_space<vmem>>, vector<64x512xf32>,
    %dot_general3A_653 = arith.constant dense<0.000000e+00> : vector<1x512xf32>
    %dot_general3A_654 = tpu.matmul %get3A_17, %max3A_649, %dot_general3A_653 {dimension_numbers = #tpu.dot_dimension_numbers<[1], [0], [0], [1], [0, 0, 1, 1], [], []>, transpose_lhs_hint = false} : vector<1x64xf32>, vector<64x512xf32>, vector<1x512xf32> -> vector<1x512xf32>
    %swap3A_655 = arith.constant 9 : index
    %swap3A_656 = arith.constant 0 : index
    %swap3A_657 = vector.load %arg14[%swap3A_655, %swap3A_656] : memref<16x512xf32, #tpu.memory_space<vmem>>, vector<1x512xf32>
    tpu.vector_store %arg14[%swap3A_655, %swap3A_656], %dot_general3A_654 {strides = array<i32>} : memref<16x512xf32, #tpu.memory_space<vmem>>, vector<1x512xf32>,
    %get3A_658 = arith.constant 10 : index
    %get3A_659 = arith.constant 0 : index
    %get3A_660 = arith.constant 0 : index
    %get3A_661 = vector.load %arg1[%get3A_658, %get3A_659, %get3A_660] : memref<16x4x512xf32, #tpu.memory_space<vmem>>, vector<1x1x512xf32>
    %get3A_662 = vector.shape_cast %get3A_661 : vector<1x1x512xf32> to vector<512xf32>
    %reshape3A_663 = vector.shape_cast %get3A_662 : vector<512xf32> to vector<1x512xf32>
    %get3A_664 = arith.constant 10 : index
    %get3A_665 = arith.constant 1 : index
    %get3A_666 = arith.constant 0 : index
    %get3A_667 = vector.load %arg1[%get3A_664, %get3A_665, %get3A_666] : memref<16x4x512xf32, #tpu.memory_space<vmem>>, vector<1x1x512xf32>
    %get3A_668 = vector.shape_cast %get3A_667 : vector<1x1x512xf32> to vector<512xf32>
    %reshape3A_669 = vector.shape_cast %get3A_668 : vector<512xf32> to vector<1x512xf32>
    %get3A_670 = arith.constant 10 : index
    %get3A_671 = arith.constant 2 : index
    %get3A_672 = arith.constant 0 : index
    %get3A_673 = vector.load %arg1[%get3A_670, %get3A_671, %get3A_672] : memref<16x4x512xf32, #tpu.memory_space<vmem>>, vector<1x1x512xf32>
    %get3A_674 = vector.shape_cast %get3A_673 : vector<1x1x512xf32> to vector<512xf32>
    %reshape3A_675 = vector.shape_cast %get3A_674 : vector<512xf32> to vector<1x512xf32>
    %get3A_676 = arith.constant 10 : index
    %get3A_677 = arith.constant 3 : index
    %get3A_678 = arith.constant 0 : index
    %get3A_679 = vector.load %arg1[%get3A_676, %get3A_677, %get3A_678] : memref<16x4x512xf32, #tpu.memory_space<vmem>>, vector<1x1x512xf32>
    %get3A_680 = vector.shape_cast %get3A_679 : vector<1x1x512xf32> to vector<512xf32>
    %reshape3A_681 = vector.shape_cast %get3A_680 : vector<512xf32> to vector<1x512xf32>
    %sub3A_682 = arith.subf %reshape3A_663, %get3A_20 : vector<1x512xf32>
    %sub3A_683 = arith.subf %reshape3A_669, %get3A_23 : vector<1x512xf32>
    %sub3A_684 = arith.subf %reshape3A_675, %get3A_26 : vector<1x512xf32>
    %mul3A_685 = arith.mulf %sub3A_682, %sub3A_682 : vector<1x512xf32>
    %mul3A_686 = arith.mulf %sub3A_683, %sub3A_683 : vector<1x512xf32>
    %add3A_687 = arith.addf %mul3A_685, %mul3A_686 : vector<1x512xf32>
    %mul3A_688 = arith.mulf %sub3A_684, %sub3A_684 : vector<1x512xf32>
    %add3A_689 = arith.addf %add3A_687, %mul3A_688 : vector<1x512xf32>
    %add3A_690 = arith.constant 9.99999997E-7 : f32
    %add3A_691 = vector.broadcast %add3A_690 : f32 to vector<1x512xf32>
    %add3A_692 = arith.addf %add3A_689, %add3A_691 : vector<1x512xf32>
    %sqrt3A_693 = math.sqrt %add3A_692 : vector<1x512xf32>
    %sub3A_694 = vector.broadcast %sqrt3A_693 : vector<1x512xf32> to vector<32x512xf32>
    %sub3A_695 = vector.broadcast %get3A_1 : vector<32x1xf32> to vector<32x512xf32>
    %sub3A_696 = arith.subf %sub3A_694, %sub3A_695 : vector<32x512xf32>
    %mul3A_697 = vector.broadcast %get3A_4 : vector<32x1xf32> to vector<32x512xf32>
    %mul3A_698 = arith.mulf %sub3A_696, %mul3A_697 : vector<32x512xf32>
    %mul3A_699 = arith.mulf %mul3A_698, %mul3A_698 : vector<32x512xf32>
    %mul3A_700 = arith.constant -5.000000e-01 : f32
    %mul3A_701 = vector.broadcast %mul3A_700 : f32 to vector<32x512xf32>
    %mul3A_702 = arith.mulf %mul3A_701, %mul3A_699 : vector<32x512xf32>
    %exp3A_703 = math.exp %mul3A_702 : vector<32x512xf32>
    %eq3A_704 = vector.broadcast %reshape3A_681 : vector<1x512xf32> to vector<48x512xf32>
    %eq3A_705 = arith.cmpf oeq, %eq3A_704, %convert_element_type3A : vector<48x512xf32>
    %convert_element_type3A_706 = arith.extui %eq3A_705 : vector<48x512xi1> to vector<48x512xi32>
    %convert_element_type3A_707 = arith.sitofp %convert_element_type3A_706 : vector<48x512xi32> to vector<48x512xf32>
    %concatenate3A_708 = tpu.concatenate %exp3A_703, %convert_element_type3A_707 in 0 : vector<32x512xf32>, vector<48x512xf32> -> vector<80x512xf32>
    %dot_general3A_709 = arith.constant dense<0.000000e+00> : vector<64x512xf32>
    %dot_general3A_710 = tpu.matmul %concatenate3A, %concatenate3A_708, %dot_general3A_709 {dimension_numbers = #tpu.dot_dimension_numbers<[1], [0], [0], [1], [0, 0, 1, 1], [], []>, transpose_lhs_hint = false} : vector<64x80xf32>, vector<80x512xf32>, vector<64x512xf32> -> vector<64x512xf32>
    %max3A_711 = arith.constant 0.000000e+00 : f32
    %max3A_712 = vector.broadcast %max3A_711 : f32 to vector<64x512xf32>
    %max3A_713 = arith.maximumf %dot_general3A_710, %max3A_712 : vector<64x512xf32>
    %swap3A_714 = arith.constant 0 : index
    %swap3A_715 = arith.constant 5120 : index
    %swap3A_716 = vector.load %arg13[%swap3A_714, %swap3A_715] : memref<64x8192xf32, #tpu.memory_space<vmem>>, vector<64x512xf32>
    tpu.vector_store %arg13[%swap3A_714, %swap3A_715], %max3A_713 {strides = array<i32>} : memref<64x8192xf32, #tpu.memory_space<vmem>>, vector<64x512xf32>,
    %dot_general3A_717 = arith.constant dense<0.000000e+00> : vector<1x512xf32>
    %dot_general3A_718 = tpu.matmul %get3A_17, %max3A_713, %dot_general3A_717 {dimension_numbers = #tpu.dot_dimension_numbers<[1], [0], [0], [1], [0, 0, 1, 1], [], []>, transpose_lhs_hint = false} : vector<1x64xf32>, vector<64x512xf32>, vector<1x512xf32> -> vector<1x512xf32>
    %swap3A_719 = arith.constant 10 : index
    %swap3A_720 = arith.constant 0 : index
    %swap3A_721 = vector.load %arg14[%swap3A_719, %swap3A_720] : memref<16x512xf32, #tpu.memory_space<vmem>>, vector<1x512xf32>
    tpu.vector_store %arg14[%swap3A_719, %swap3A_720], %dot_general3A_718 {strides = array<i32>} : memref<16x512xf32, #tpu.memory_space<vmem>>, vector<1x512xf32>,
    %get3A_722 = arith.constant 11 : index
    %get3A_723 = arith.constant 0 : index
    %get3A_724 = arith.constant 0 : index
    %get3A_725 = vector.load %arg1[%get3A_722, %get3A_723, %get3A_724] : memref<16x4x512xf32, #tpu.memory_space<vmem>>, vector<1x1x512xf32>
    %get3A_726 = vector.shape_cast %get3A_725 : vector<1x1x512xf32> to vector<512xf32>
    %reshape3A_727 = vector.shape_cast %get3A_726 : vector<512xf32> to vector<1x512xf32>
    %get3A_728 = arith.constant 11 : index
    %get3A_729 = arith.constant 1 : index
    %get3A_730 = arith.constant 0 : index
    %get3A_731 = vector.load %arg1[%get3A_728, %get3A_729, %get3A_730] : memref<16x4x512xf32, #tpu.memory_space<vmem>>, vector<1x1x512xf32>
    %get3A_732 = vector.shape_cast %get3A_731 : vector<1x1x512xf32> to vector<512xf32>
    %reshape3A_733 = vector.shape_cast %get3A_732 : vector<512xf32> to vector<1x512xf32>
    %get3A_734 = arith.constant 11 : index
    %get3A_735 = arith.constant 2 : index
    %get3A_736 = arith.constant 0 : index
    %get3A_737 = vector.load %arg1[%get3A_734, %get3A_735, %get3A_736] : memref<16x4x512xf32, #tpu.memory_space<vmem>>, vector<1x1x512xf32>
    %get3A_738 = vector.shape_cast %get3A_737 : vector<1x1x512xf32> to vector<512xf32>
    %reshape3A_739 = vector.shape_cast %get3A_738 : vector<512xf32> to vector<1x512xf32>
    %get3A_740 = arith.constant 11 : index
    %get3A_741 = arith.constant 3 : index
    %get3A_742 = arith.constant 0 : index
    %get3A_743 = vector.load %arg1[%get3A_740, %get3A_741, %get3A_742] : memref<16x4x512xf32, #tpu.memory_space<vmem>>, vector<1x1x512xf32>
    %get3A_744 = vector.shape_cast %get3A_743 : vector<1x1x512xf32> to vector<512xf32>
    %reshape3A_745 = vector.shape_cast %get3A_744 : vector<512xf32> to vector<1x512xf32>
    %sub3A_746 = arith.subf %reshape3A_727, %get3A_20 : vector<1x512xf32>
    %sub3A_747 = arith.subf %reshape3A_733, %get3A_23 : vector<1x512xf32>
    %sub3A_748 = arith.subf %reshape3A_739, %get3A_26 : vector<1x512xf32>
    %mul3A_749 = arith.mulf %sub3A_746, %sub3A_746 : vector<1x512xf32>
    %mul3A_750 = arith.mulf %sub3A_747, %sub3A_747 : vector<1x512xf32>
    %add3A_751 = arith.addf %mul3A_749, %mul3A_750 : vector<1x512xf32>
    %mul3A_752 = arith.mulf %sub3A_748, %sub3A_748 : vector<1x512xf32>
    %add3A_753 = arith.addf %add3A_751, %mul3A_752 : vector<1x512xf32>
    %add3A_754 = arith.constant 9.99999997E-7 : f32
    %add3A_755 = vector.broadcast %add3A_754 : f32 to vector<1x512xf32>
    %add3A_756 = arith.addf %add3A_753, %add3A_755 : vector<1x512xf32>
    %sqrt3A_757 = math.sqrt %add3A_756 : vector<1x512xf32>
    %sub3A_758 = vector.broadcast %sqrt3A_757 : vector<1x512xf32> to vector<32x512xf32>
    %sub3A_759 = vector.broadcast %get3A_1 : vector<32x1xf32> to vector<32x512xf32>
    %sub3A_760 = arith.subf %sub3A_758, %sub3A_759 : vector<32x512xf32>
    %mul3A_761 = vector.broadcast %get3A_4 : vector<32x1xf32> to vector<32x512xf32>
    %mul3A_762 = arith.mulf %sub3A_760, %mul3A_761 : vector<32x512xf32>
    %mul3A_763 = arith.mulf %mul3A_762, %mul3A_762 : vector<32x512xf32>
    %mul3A_764 = arith.constant -5.000000e-01 : f32
    %mul3A_765 = vector.broadcast %mul3A_764 : f32 to vector<32x512xf32>
    %mul3A_766 = arith.mulf %mul3A_765, %mul3A_763 : vector<32x512xf32>
    %exp3A_767 = math.exp %mul3A_766 : vector<32x512xf32>
    %eq3A_768 = vector.broadcast %reshape3A_745 : vector<1x512xf32> to vector<48x512xf32>
    %eq3A_769 = arith.cmpf oeq, %eq3A_768, %convert_element_type3A : vector<48x512xf32>
    %convert_element_type3A_770 = arith.extui %eq3A_769 : vector<48x512xi1> to vector<48x512xi32>
    %convert_element_type3A_771 = arith.sitofp %convert_element_type3A_770 : vector<48x512xi32> to vector<48x512xf32>
    %concatenate3A_772 = tpu.concatenate %exp3A_767, %convert_element_type3A_771 in 0 : vector<32x512xf32>, vector<48x512xf32> -> vector<80x512xf32>
    %dot_general3A_773 = arith.constant dense<0.000000e+00> : vector<64x512xf32>
    %dot_general3A_774 = tpu.matmul %concatenate3A, %concatenate3A_772, %dot_general3A_773 {dimension_numbers = #tpu.dot_dimension_numbers<[1], [0], [0], [1], [0, 0, 1, 1], [], []>, transpose_lhs_hint = false} : vector<64x80xf32>, vector<80x512xf32>, vector<64x512xf32> -> vector<64x512xf32>
    %max3A_775 = arith.constant 0.000000e+00 : f32
    %max3A_776 = vector.broadcast %max3A_775 : f32 to vector<64x512xf32>
    %max3A_777 = arith.maximumf %dot_general3A_774, %max3A_776 : vector<64x512xf32>
    %swap3A_778 = arith.constant 0 : index
    %swap3A_779 = arith.constant 5632 : index
    %swap3A_780 = vector.load %arg13[%swap3A_778, %swap3A_779] : memref<64x8192xf32, #tpu.memory_space<vmem>>, vector<64x512xf32>
    tpu.vector_store %arg13[%swap3A_778, %swap3A_779], %max3A_777 {strides = array<i32>} : memref<64x8192xf32, #tpu.memory_space<vmem>>, vector<64x512xf32>,
    %dot_general3A_781 = arith.constant dense<0.000000e+00> : vector<1x512xf32>
    %dot_general3A_782 = tpu.matmul %get3A_17, %max3A_777, %dot_general3A_781 {dimension_numbers = #tpu.dot_dimension_numbers<[1], [0], [0], [1], [0, 0, 1, 1], [], []>, transpose_lhs_hint = false} : vector<1x64xf32>, vector<64x512xf32>, vector<1x512xf32> -> vector<1x512xf32>
    %swap3A_783 = arith.constant 11 : index
    %swap3A_784 = arith.constant 0 : index
    %swap3A_785 = vector.load %arg14[%swap3A_783, %swap3A_784] : memref<16x512xf32, #tpu.memory_space<vmem>>, vector<1x512xf32>
    tpu.vector_store %arg14[%swap3A_783, %swap3A_784], %dot_general3A_782 {strides = array<i32>} : memref<16x512xf32, #tpu.memory_space<vmem>>, vector<1x512xf32>,
    %get3A_786 = arith.constant 12 : index
    %get3A_787 = arith.constant 0 : index
    %get3A_788 = arith.constant 0 : index
    %get3A_789 = vector.load %arg1[%get3A_786, %get3A_787, %get3A_788] : memref<16x4x512xf32, #tpu.memory_space<vmem>>, vector<1x1x512xf32>
    %get3A_790 = vector.shape_cast %get3A_789 : vector<1x1x512xf32> to vector<512xf32>
    %reshape3A_791 = vector.shape_cast %get3A_790 : vector<512xf32> to vector<1x512xf32>
    %get3A_792 = arith.constant 12 : index
    %get3A_793 = arith.constant 1 : index
    %get3A_794 = arith.constant 0 : index
    %get3A_795 = vector.load %arg1[%get3A_792, %get3A_793, %get3A_794] : memref<16x4x512xf32, #tpu.memory_space<vmem>>, vector<1x1x512xf32>
    %get3A_796 = vector.shape_cast %get3A_795 : vector<1x1x512xf32> to vector<512xf32>
    %reshape3A_797 = vector.shape_cast %get3A_796 : vector<512xf32> to vector<1x512xf32>
    %get3A_798 = arith.constant 12 : index
    %get3A_799 = arith.constant 2 : index
    %get3A_800 = arith.constant 0 : index
    %get3A_801 = vector.load %arg1[%get3A_798, %get3A_799, %get3A_800] : memref<16x4x512xf32, #tpu.memory_space<vmem>>, vector<1x1x512xf32>
    %get3A_802 = vector.shape_cast %get3A_801 : vector<1x1x512xf32> to vector<512xf32>
    %reshape3A_803 = vector.shape_cast %get3A_802 : vector<512xf32> to vector<1x512xf32>
    %get3A_804 = arith.constant 12 : index
    %get3A_805 = arith.constant 3 : index
    %get3A_806 = arith.constant 0 : index
    %get3A_807 = vector.load %arg1[%get3A_804, %get3A_805, %get3A_806] : memref<16x4x512xf32, #tpu.memory_space<vmem>>, vector<1x1x512xf32>
    %get3A_808 = vector.shape_cast %get3A_807 : vector<1x1x512xf32> to vector<512xf32>
    %reshape3A_809 = vector.shape_cast %get3A_808 : vector<512xf32> to vector<1x512xf32>
    %sub3A_810 = arith.subf %reshape3A_791, %get3A_20 : vector<1x512xf32>
    %sub3A_811 = arith.subf %reshape3A_797, %get3A_23 : vector<1x512xf32>
    %sub3A_812 = arith.subf %reshape3A_803, %get3A_26 : vector<1x512xf32>
    %mul3A_813 = arith.mulf %sub3A_810, %sub3A_810 : vector<1x512xf32>
    %mul3A_814 = arith.mulf %sub3A_811, %sub3A_811 : vector<1x512xf32>
    %add3A_815 = arith.addf %mul3A_813, %mul3A_814 : vector<1x512xf32>
    %mul3A_816 = arith.mulf %sub3A_812, %sub3A_812 : vector<1x512xf32>
    %add3A_817 = arith.addf %add3A_815, %mul3A_816 : vector<1x512xf32>
    %add3A_818 = arith.constant 9.99999997E-7 : f32
    %add3A_819 = vector.broadcast %add3A_818 : f32 to vector<1x512xf32>
    %add3A_820 = arith.addf %add3A_817, %add3A_819 : vector<1x512xf32>
    %sqrt3A_821 = math.sqrt %add3A_820 : vector<1x512xf32>
    %sub3A_822 = vector.broadcast %sqrt3A_821 : vector<1x512xf32> to vector<32x512xf32>
    %sub3A_823 = vector.broadcast %get3A_1 : vector<32x1xf32> to vector<32x512xf32>
    %sub3A_824 = arith.subf %sub3A_822, %sub3A_823 : vector<32x512xf32>
    %mul3A_825 = vector.broadcast %get3A_4 : vector<32x1xf32> to vector<32x512xf32>
    %mul3A_826 = arith.mulf %sub3A_824, %mul3A_825 : vector<32x512xf32>
    %mul3A_827 = arith.mulf %mul3A_826, %mul3A_826 : vector<32x512xf32>
    %mul3A_828 = arith.constant -5.000000e-01 : f32
    %mul3A_829 = vector.broadcast %mul3A_828 : f32 to vector<32x512xf32>
    %mul3A_830 = arith.mulf %mul3A_829, %mul3A_827 : vector<32x512xf32>
    %exp3A_831 = math.exp %mul3A_830 : vector<32x512xf32>
    %eq3A_832 = vector.broadcast %reshape3A_809 : vector<1x512xf32> to vector<48x512xf32>
    %eq3A_833 = arith.cmpf oeq, %eq3A_832, %convert_element_type3A : vector<48x512xf32>
    %convert_element_type3A_834 = arith.extui %eq3A_833 : vector<48x512xi1> to vector<48x512xi32>
    %convert_element_type3A_835 = arith.sitofp %convert_element_type3A_834 : vector<48x512xi32> to vector<48x512xf32>
    %concatenate3A_836 = tpu.concatenate %exp3A_831, %convert_element_type3A_835 in 0 : vector<32x512xf32>, vector<48x512xf32> -> vector<80x512xf32>
    %dot_general3A_837 = arith.constant dense<0.000000e+00> : vector<64x512xf32>
    %dot_general3A_838 = tpu.matmul %concatenate3A, %concatenate3A_836, %dot_general3A_837 {dimension_numbers = #tpu.dot_dimension_numbers<[1], [0], [0], [1], [0, 0, 1, 1], [], []>, transpose_lhs_hint = false} : vector<64x80xf32>, vector<80x512xf32>, vector<64x512xf32> -> vector<64x512xf32>
    %max3A_839 = arith.constant 0.000000e+00 : f32
    %max3A_840 = vector.broadcast %max3A_839 : f32 to vector<64x512xf32>
    %max3A_841 = arith.maximumf %dot_general3A_838, %max3A_840 : vector<64x512xf32>
    %swap3A_842 = arith.constant 0 : index
    %swap3A_843 = arith.constant 6144 : index
    %swap3A_844 = vector.load %arg13[%swap3A_842, %swap3A_843] : memref<64x8192xf32, #tpu.memory_space<vmem>>, vector<64x512xf32>
    tpu.vector_store %arg13[%swap3A_842, %swap3A_843], %max3A_841 {strides = array<i32>} : memref<64x8192xf32, #tpu.memory_space<vmem>>, vector<64x512xf32>,
    %dot_general3A_845 = arith.constant dense<0.000000e+00> : vector<1x512xf32>
    %dot_general3A_846 = tpu.matmul %get3A_17, %max3A_841, %dot_general3A_845 {dimension_numbers = #tpu.dot_dimension_numbers<[1], [0], [0], [1], [0, 0, 1, 1], [], []>, transpose_lhs_hint = false} : vector<1x64xf32>, vector<64x512xf32>, vector<1x512xf32> -> vector<1x512xf32>
    %swap3A_847 = arith.constant 12 : index
    %swap3A_848 = arith.constant 0 : index
    %swap3A_849 = vector.load %arg14[%swap3A_847, %swap3A_848] : memref<16x512xf32, #tpu.memory_space<vmem>>, vector<1x512xf32>
    tpu.vector_store %arg14[%swap3A_847, %swap3A_848], %dot_general3A_846 {strides = array<i32>} : memref<16x512xf32, #tpu.memory_space<vmem>>, vector<1x512xf32>,
    %get3A_850 = arith.constant 13 : index
    %get3A_851 = arith.constant 0 : index
    %get3A_852 = arith.constant 0 : index
    %get3A_853 = vector.load %arg1[%get3A_850, %get3A_851, %get3A_852] : memref<16x4x512xf32, #tpu.memory_space<vmem>>, vector<1x1x512xf32>
    %get3A_854 = vector.shape_cast %get3A_853 : vector<1x1x512xf32> to vector<512xf32>
    %reshape3A_855 = vector.shape_cast %get3A_854 : vector<512xf32> to vector<1x512xf32>
    %get3A_856 = arith.constant 13 : index
    %get3A_857 = arith.constant 1 : index
    %get3A_858 = arith.constant 0 : index
    %get3A_859 = vector.load %arg1[%get3A_856, %get3A_857, %get3A_858] : memref<16x4x512xf32, #tpu.memory_space<vmem>>, vector<1x1x512xf32>
    %get3A_860 = vector.shape_cast %get3A_859 : vector<1x1x512xf32> to vector<512xf32>
    %reshape3A_861 = vector.shape_cast %get3A_860 : vector<512xf32> to vector<1x512xf32>
    %get3A_862 = arith.constant 13 : index
    %get3A_863 = arith.constant 2 : index
    %get3A_864 = arith.constant 0 : index
    %get3A_865 = vector.load %arg1[%get3A_862, %get3A_863, %get3A_864] : memref<16x4x512xf32, #tpu.memory_space<vmem>>, vector<1x1x512xf32>
    %get3A_866 = vector.shape_cast %get3A_865 : vector<1x1x512xf32> to vector<512xf32>
    %reshape3A_867 = vector.shape_cast %get3A_866 : vector<512xf32> to vector<1x512xf32>
    %get3A_868 = arith.constant 13 : index
    %get3A_869 = arith.constant 3 : index
    %get3A_870 = arith.constant 0 : index
    %get3A_871 = vector.load %arg1[%get3A_868, %get3A_869, %get3A_870] : memref<16x4x512xf32, #tpu.memory_space<vmem>>, vector<1x1x512xf32>
    %get3A_872 = vector.shape_cast %get3A_871 : vector<1x1x512xf32> to vector<512xf32>
    %reshape3A_873 = vector.shape_cast %get3A_872 : vector<512xf32> to vector<1x512xf32>
    %sub3A_874 = arith.subf %reshape3A_855, %get3A_20 : vector<1x512xf32>
    %sub3A_875 = arith.subf %reshape3A_861, %get3A_23 : vector<1x512xf32>
    %sub3A_876 = arith.subf %reshape3A_867, %get3A_26 : vector<1x512xf32>
    %mul3A_877 = arith.mulf %sub3A_874, %sub3A_874 : vector<1x512xf32>
    %mul3A_878 = arith.mulf %sub3A_875, %sub3A_875 : vector<1x512xf32>
    %add3A_879 = arith.addf %mul3A_877, %mul3A_878 : vector<1x512xf32>
    %mul3A_880 = arith.mulf %sub3A_876, %sub3A_876 : vector<1x512xf32>
    %add3A_881 = arith.addf %add3A_879, %mul3A_880 : vector<1x512xf32>
    %add3A_882 = arith.constant 9.99999997E-7 : f32
    %add3A_883 = vector.broadcast %add3A_882 : f32 to vector<1x512xf32>
    %add3A_884 = arith.addf %add3A_881, %add3A_883 : vector<1x512xf32>
    %sqrt3A_885 = math.sqrt %add3A_884 : vector<1x512xf32>
    %sub3A_886 = vector.broadcast %sqrt3A_885 : vector<1x512xf32> to vector<32x512xf32>
    %sub3A_887 = vector.broadcast %get3A_1 : vector<32x1xf32> to vector<32x512xf32>
    %sub3A_888 = arith.subf %sub3A_886, %sub3A_887 : vector<32x512xf32>
    %mul3A_889 = vector.broadcast %get3A_4 : vector<32x1xf32> to vector<32x512xf32>
    %mul3A_890 = arith.mulf %sub3A_888, %mul3A_889 : vector<32x512xf32>
    %mul3A_891 = arith.mulf %mul3A_890, %mul3A_890 : vector<32x512xf32>
    %mul3A_892 = arith.constant -5.000000e-01 : f32
    %mul3A_893 = vector.broadcast %mul3A_892 : f32 to vector<32x512xf32>
    %mul3A_894 = arith.mulf %mul3A_893, %mul3A_891 : vector<32x512xf32>
    %exp3A_895 = math.exp %mul3A_894 : vector<32x512xf32>
    %eq3A_896 = vector.broadcast %reshape3A_873 : vector<1x512xf32> to vector<48x512xf32>
    %eq3A_897 = arith.cmpf oeq, %eq3A_896, %convert_element_type3A : vector<48x512xf32>
    %convert_element_type3A_898 = arith.extui %eq3A_897 : vector<48x512xi1> to vector<48x512xi32>
    %convert_element_type3A_899 = arith.sitofp %convert_element_type3A_898 : vector<48x512xi32> to vector<48x512xf32>
    %concatenate3A_900 = tpu.concatenate %exp3A_895, %convert_element_type3A_899 in 0 : vector<32x512xf32>, vector<48x512xf32> -> vector<80x512xf32>
    %dot_general3A_901 = arith.constant dense<0.000000e+00> : vector<64x512xf32>
    %dot_general3A_902 = tpu.matmul %concatenate3A, %concatenate3A_900, %dot_general3A_901 {dimension_numbers = #tpu.dot_dimension_numbers<[1], [0], [0], [1], [0, 0, 1, 1], [], []>, transpose_lhs_hint = false} : vector<64x80xf32>, vector<80x512xf32>, vector<64x512xf32> -> vector<64x512xf32>
    %max3A_903 = arith.constant 0.000000e+00 : f32
    %max3A_904 = vector.broadcast %max3A_903 : f32 to vector<64x512xf32>
    %max3A_905 = arith.maximumf %dot_general3A_902, %max3A_904 : vector<64x512xf32>
    %swap3A_906 = arith.constant 0 : index
    %swap3A_907 = arith.constant 6656 : index
    %swap3A_908 = vector.load %arg13[%swap3A_906, %swap3A_907] : memref<64x8192xf32, #tpu.memory_space<vmem>>, vector<64x512xf32>
    tpu.vector_store %arg13[%swap3A_906, %swap3A_907], %max3A_905 {strides = array<i32>} : memref<64x8192xf32, #tpu.memory_space<vmem>>, vector<64x512xf32>,
    %dot_general3A_909 = arith.constant dense<0.000000e+00> : vector<1x512xf32>
    %dot_general3A_910 = tpu.matmul %get3A_17, %max3A_905, %dot_general3A_909 {dimension_numbers = #tpu.dot_dimension_numbers<[1], [0], [0], [1], [0, 0, 1, 1], [], []>, transpose_lhs_hint = false} : vector<1x64xf32>, vector<64x512xf32>, vector<1x512xf32> -> vector<1x512xf32>
    %swap3A_911 = arith.constant 13 : index
    %swap3A_912 = arith.constant 0 : index
    %swap3A_913 = vector.load %arg14[%swap3A_911, %swap3A_912] : memref<16x512xf32, #tpu.memory_space<vmem>>, vector<1x512xf32>
    tpu.vector_store %arg14[%swap3A_911, %swap3A_912], %dot_general3A_910 {strides = array<i32>} : memref<16x512xf32, #tpu.memory_space<vmem>>, vector<1x512xf32>,
    %get3A_914 = arith.constant 14 : index
    %get3A_915 = arith.constant 0 : index
    %get3A_916 = arith.constant 0 : index
    %get3A_917 = vector.load %arg1[%get3A_914, %get3A_915, %get3A_916] : memref<16x4x512xf32, #tpu.memory_space<vmem>>, vector<1x1x512xf32>
    %get3A_918 = vector.shape_cast %get3A_917 : vector<1x1x512xf32> to vector<512xf32>
    %reshape3A_919 = vector.shape_cast %get3A_918 : vector<512xf32> to vector<1x512xf32>
    %get3A_920 = arith.constant 14 : index
    %get3A_921 = arith.constant 1 : index
    %get3A_922 = arith.constant 0 : index
    %get3A_923 = vector.load %arg1[%get3A_920, %get3A_921, %get3A_922] : memref<16x4x512xf32, #tpu.memory_space<vmem>>, vector<1x1x512xf32>
    %get3A_924 = vector.shape_cast %get3A_923 : vector<1x1x512xf32> to vector<512xf32>
    %reshape3A_925 = vector.shape_cast %get3A_924 : vector<512xf32> to vector<1x512xf32>
    %get3A_926 = arith.constant 14 : index
    %get3A_927 = arith.constant 2 : index
    %get3A_928 = arith.constant 0 : index
    %get3A_929 = vector.load %arg1[%get3A_926, %get3A_927, %get3A_928] : memref<16x4x512xf32, #tpu.memory_space<vmem>>, vector<1x1x512xf32>
    %get3A_930 = vector.shape_cast %get3A_929 : vector<1x1x512xf32> to vector<512xf32>
    %reshape3A_931 = vector.shape_cast %get3A_930 : vector<512xf32> to vector<1x512xf32>
    %get3A_932 = arith.constant 14 : index
    %get3A_933 = arith.constant 3 : index
    %get3A_934 = arith.constant 0 : index
    %get3A_935 = vector.load %arg1[%get3A_932, %get3A_933, %get3A_934] : memref<16x4x512xf32, #tpu.memory_space<vmem>>, vector<1x1x512xf32>
    %get3A_936 = vector.shape_cast %get3A_935 : vector<1x1x512xf32> to vector<512xf32>
    %reshape3A_937 = vector.shape_cast %get3A_936 : vector<512xf32> to vector<1x512xf32>
    %sub3A_938 = arith.subf %reshape3A_919, %get3A_20 : vector<1x512xf32>
    %sub3A_939 = arith.subf %reshape3A_925, %get3A_23 : vector<1x512xf32>
    %sub3A_940 = arith.subf %reshape3A_931, %get3A_26 : vector<1x512xf32>
    %mul3A_941 = arith.mulf %sub3A_938, %sub3A_938 : vector<1x512xf32>
    %mul3A_942 = arith.mulf %sub3A_939, %sub3A_939 : vector<1x512xf32>
    %add3A_943 = arith.addf %mul3A_941, %mul3A_942 : vector<1x512xf32>
    %mul3A_944 = arith.mulf %sub3A_940, %sub3A_940 : vector<1x512xf32>
    %add3A_945 = arith.addf %add3A_943, %mul3A_944 : vector<1x512xf32>
    %add3A_946 = arith.constant 9.99999997E-7 : f32
    %add3A_947 = vector.broadcast %add3A_946 : f32 to vector<1x512xf32>
    %add3A_948 = arith.addf %add3A_945, %add3A_947 : vector<1x512xf32>
    %sqrt3A_949 = math.sqrt %add3A_948 : vector<1x512xf32>
    %sub3A_950 = vector.broadcast %sqrt3A_949 : vector<1x512xf32> to vector<32x512xf32>
    %sub3A_951 = vector.broadcast %get3A_1 : vector<32x1xf32> to vector<32x512xf32>
    %sub3A_952 = arith.subf %sub3A_950, %sub3A_951 : vector<32x512xf32>
    %mul3A_953 = vector.broadcast %get3A_4 : vector<32x1xf32> to vector<32x512xf32>
    %mul3A_954 = arith.mulf %sub3A_952, %mul3A_953 : vector<32x512xf32>
    %mul3A_955 = arith.mulf %mul3A_954, %mul3A_954 : vector<32x512xf32>
    %mul3A_956 = arith.constant -5.000000e-01 : f32
    %mul3A_957 = vector.broadcast %mul3A_956 : f32 to vector<32x512xf32>
    %mul3A_958 = arith.mulf %mul3A_957, %mul3A_955 : vector<32x512xf32>
    %exp3A_959 = math.exp %mul3A_958 : vector<32x512xf32>
    %eq3A_960 = vector.broadcast %reshape3A_937 : vector<1x512xf32> to vector<48x512xf32>
    %eq3A_961 = arith.cmpf oeq, %eq3A_960, %convert_element_type3A : vector<48x512xf32>
    %convert_element_type3A_962 = arith.extui %eq3A_961 : vector<48x512xi1> to vector<48x512xi32>
    %convert_element_type3A_963 = arith.sitofp %convert_element_type3A_962 : vector<48x512xi32> to vector<48x512xf32>
    %concatenate3A_964 = tpu.concatenate %exp3A_959, %convert_element_type3A_963 in 0 : vector<32x512xf32>, vector<48x512xf32> -> vector<80x512xf32>
    %dot_general3A_965 = arith.constant dense<0.000000e+00> : vector<64x512xf32>
    %dot_general3A_966 = tpu.matmul %concatenate3A, %concatenate3A_964, %dot_general3A_965 {dimension_numbers = #tpu.dot_dimension_numbers<[1], [0], [0], [1], [0, 0, 1, 1], [], []>, transpose_lhs_hint = false} : vector<64x80xf32>, vector<80x512xf32>, vector<64x512xf32> -> vector<64x512xf32>
    %max3A_967 = arith.constant 0.000000e+00 : f32
    %max3A_968 = vector.broadcast %max3A_967 : f32 to vector<64x512xf32>
    %max3A_969 = arith.maximumf %dot_general3A_966, %max3A_968 : vector<64x512xf32>
    %swap3A_970 = arith.constant 0 : index
    %swap3A_971 = arith.constant 7168 : index
    %swap3A_972 = vector.load %arg13[%swap3A_970, %swap3A_971] : memref<64x8192xf32, #tpu.memory_space<vmem>>, vector<64x512xf32>
    tpu.vector_store %arg13[%swap3A_970, %swap3A_971], %max3A_969 {strides = array<i32>} : memref<64x8192xf32, #tpu.memory_space<vmem>>, vector<64x512xf32>,
    %dot_general3A_973 = arith.constant dense<0.000000e+00> : vector<1x512xf32>
    %dot_general3A_974 = tpu.matmul %get3A_17, %max3A_969, %dot_general3A_973 {dimension_numbers = #tpu.dot_dimension_numbers<[1], [0], [0], [1], [0, 0, 1, 1], [], []>, transpose_lhs_hint = false} : vector<1x64xf32>, vector<64x512xf32>, vector<1x512xf32> -> vector<1x512xf32>
    %swap3A_975 = arith.constant 14 : index
    %swap3A_976 = arith.constant 0 : index
    %swap3A_977 = vector.load %arg14[%swap3A_975, %swap3A_976] : memref<16x512xf32, #tpu.memory_space<vmem>>, vector<1x512xf32>
    tpu.vector_store %arg14[%swap3A_975, %swap3A_976], %dot_general3A_974 {strides = array<i32>} : memref<16x512xf32, #tpu.memory_space<vmem>>, vector<1x512xf32>,
    %get3A_978 = arith.constant 15 : index
    %get3A_979 = arith.constant 0 : index
    %get3A_980 = arith.constant 0 : index
    %get3A_981 = vector.load %arg1[%get3A_978, %get3A_979, %get3A_980] : memref<16x4x512xf32, #tpu.memory_space<vmem>>, vector<1x1x512xf32>
    %get3A_982 = vector.shape_cast %get3A_981 : vector<1x1x512xf32> to vector<512xf32>
    %reshape3A_983 = vector.shape_cast %get3A_982 : vector<512xf32> to vector<1x512xf32>
    %get3A_984 = arith.constant 15 : index
    %get3A_985 = arith.constant 1 : index
    %get3A_986 = arith.constant 0 : index
    %get3A_987 = vector.load %arg1[%get3A_984, %get3A_985, %get3A_986] : memref<16x4x512xf32, #tpu.memory_space<vmem>>, vector<1x1x512xf32>
    %get3A_988 = vector.shape_cast %get3A_987 : vector<1x1x512xf32> to vector<512xf32>
    %reshape3A_989 = vector.shape_cast %get3A_988 : vector<512xf32> to vector<1x512xf32>
    %get3A_990 = arith.constant 15 : index
    %get3A_991 = arith.constant 2 : index
    %get3A_992 = arith.constant 0 : index
    %get3A_993 = vector.load %arg1[%get3A_990, %get3A_991, %get3A_992] : memref<16x4x512xf32, #tpu.memory_space<vmem>>, vector<1x1x512xf32>
    %get3A_994 = vector.shape_cast %get3A_993 : vector<1x1x512xf32> to vector<512xf32>
    %reshape3A_995 = vector.shape_cast %get3A_994 : vector<512xf32> to vector<1x512xf32>
    %get3A_996 = arith.constant 15 : index
    %get3A_997 = arith.constant 3 : index
    %get3A_998 = arith.constant 0 : index
    %get3A_999 = vector.load %arg1[%get3A_996, %get3A_997, %get3A_998] : memref<16x4x512xf32, #tpu.memory_space<vmem>>, vector<1x1x512xf32>
    %get3A_1000 = vector.shape_cast %get3A_999 : vector<1x1x512xf32> to vector<512xf32>
    %reshape3A_1001 = vector.shape_cast %get3A_1000 : vector<512xf32> to vector<1x512xf32>
    %sub3A_1002 = arith.subf %reshape3A_983, %get3A_20 : vector<1x512xf32>
    %sub3A_1003 = arith.subf %reshape3A_989, %get3A_23 : vector<1x512xf32>
    %sub3A_1004 = arith.subf %reshape3A_995, %get3A_26 : vector<1x512xf32>
    %mul3A_1005 = arith.mulf %sub3A_1002, %sub3A_1002 : vector<1x512xf32>
    %mul3A_1006 = arith.mulf %sub3A_1003, %sub3A_1003 : vector<1x512xf32>
    %add3A_1007 = arith.addf %mul3A_1005, %mul3A_1006 : vector<1x512xf32>
    %mul3A_1008 = arith.mulf %sub3A_1004, %sub3A_1004 : vector<1x512xf32>
    %add3A_1009 = arith.addf %add3A_1007, %mul3A_1008 : vector<1x512xf32>
    %add3A_1010 = arith.constant 9.99999997E-7 : f32
    %add3A_1011 = vector.broadcast %add3A_1010 : f32 to vector<1x512xf32>
    %add3A_1012 = arith.addf %add3A_1009, %add3A_1011 : vector<1x512xf32>
    %sqrt3A_1013 = math.sqrt %add3A_1012 : vector<1x512xf32>
    %sub3A_1014 = vector.broadcast %sqrt3A_1013 : vector<1x512xf32> to vector<32x512xf32>
    %sub3A_1015 = vector.broadcast %get3A_1 : vector<32x1xf32> to vector<32x512xf32>
    %sub3A_1016 = arith.subf %sub3A_1014, %sub3A_1015 : vector<32x512xf32>
    %mul3A_1017 = vector.broadcast %get3A_4 : vector<32x1xf32> to vector<32x512xf32>
    %mul3A_1018 = arith.mulf %sub3A_1016, %mul3A_1017 : vector<32x512xf32>
    %mul3A_1019 = arith.mulf %mul3A_1018, %mul3A_1018 : vector<32x512xf32>
    %mul3A_1020 = arith.constant -5.000000e-01 : f32
    %mul3A_1021 = vector.broadcast %mul3A_1020 : f32 to vector<32x512xf32>
    %mul3A_1022 = arith.mulf %mul3A_1021, %mul3A_1019 : vector<32x512xf32>
    %exp3A_1023 = math.exp %mul3A_1022 : vector<32x512xf32>
    %eq3A_1024 = vector.broadcast %reshape3A_1001 : vector<1x512xf32> to vector<48x512xf32>
    %eq3A_1025 = arith.cmpf oeq, %eq3A_1024, %convert_element_type3A : vector<48x512xf32>
    %convert_element_type3A_1026 = arith.extui %eq3A_1025 : vector<48x512xi1> to vector<48x512xi32>
    %convert_element_type3A_1027 = arith.sitofp %convert_element_type3A_1026 : vector<48x512xi32> to vector<48x512xf32>
    %concatenate3A_1028 = tpu.concatenate %exp3A_1023, %convert_element_type3A_1027 in 0 : vector<32x512xf32>, vector<48x512xf32> -> vector<80x512xf32>
    %dot_general3A_1029 = arith.constant dense<0.000000e+00> : vector<64x512xf32>
    %dot_general3A_1030 = tpu.matmul %concatenate3A, %concatenate3A_1028, %dot_general3A_1029 {dimension_numbers = #tpu.dot_dimension_numbers<[1], [0], [0], [1], [0, 0, 1, 1], [], []>, transpose_lhs_hint = false} : vector<64x80xf32>, vector<80x512xf32>, vector<64x512xf32> -> vector<64x512xf32>
    %max3A_1031 = arith.constant 0.000000e+00 : f32
    %max3A_1032 = vector.broadcast %max3A_1031 : f32 to vector<64x512xf32>
    %max3A_1033 = arith.maximumf %dot_general3A_1030, %max3A_1032 : vector<64x512xf32>
    %swap3A_1034 = arith.constant 0 : index
    %swap3A_1035 = arith.constant 7680 : index
    %swap3A_1036 = vector.load %arg13[%swap3A_1034, %swap3A_1035] : memref<64x8192xf32, #tpu.memory_space<vmem>>, vector<64x512xf32>
    tpu.vector_store %arg13[%swap3A_1034, %swap3A_1035], %max3A_1033 {strides = array<i32>} : memref<64x8192xf32, #tpu.memory_space<vmem>>, vector<64x512xf32>,
    %dot_general3A_1037 = arith.constant dense<0.000000e+00> : vector<1x512xf32>
    %dot_general3A_1038 = tpu.matmul %get3A_17, %max3A_1033, %dot_general3A_1037 {dimension_numbers = #tpu.dot_dimension_numbers<[1], [0], [0], [1], [0, 0, 1, 1], [], []>, transpose_lhs_hint = false} : vector<1x64xf32>, vector<64x512xf32>, vector<1x512xf32> -> vector<1x512xf32>
    %swap3A_1039 = arith.constant 15 : index
    %swap3A_1040 = arith.constant 0 : index
    %swap3A_1041 = vector.load %arg14[%swap3A_1039, %swap3A_1040] : memref<16x512xf32, #tpu.memory_space<vmem>>, vector<1x512xf32>
    tpu.vector_store %arg14[%swap3A_1039, %swap3A_1040], %dot_general3A_1038 {strides = array<i32>} : memref<16x512xf32, #tpu.memory_space<vmem>>, vector<1x512xf32>,
    %get3A_1042 = arith.constant 0 : index
    %get3A_1043 = arith.constant 0 : index
    %get3A_1044 = vector.load %arg14[%get3A_1042, %get3A_1043] : memref<16x512xf32, #tpu.memory_space<vmem>>, vector<16x512xf32>
    %reduce_max3A = arith.constant dense<0xFF800000> : vector<512xf32>
    %reduce_max3A_1045 = vector.multi_reduction <maximumf>, %get3A_1044, %reduce_max3A [0] : vector<16x512xf32> to vector<512xf32>
    %broadcast_in_dim3A = vector.shape_cast %reduce_max3A_1045 : vector<512xf32> to vector<1x512xf32>
    %sub3A_1046 = vector.broadcast %broadcast_in_dim3A : vector<1x512xf32> to vector<16x512xf32>
    %sub3A_1047 = arith.subf %get3A_1044, %sub3A_1046 : vector<16x512xf32>
    %exp3A_1048 = math.exp %sub3A_1047 : vector<16x512xf32>
    %reduce_sum3A = arith.constant dense<0.000000e+00> : vector<512xf32>
    %reduce_sum3A_1049 = vector.multi_reduction <add>, %exp3A_1048, %reduce_sum3A [0] : vector<16x512xf32> to vector<512xf32>
    %broadcast_in_dim3A_1050 = vector.shape_cast %reduce_sum3A_1049 : vector<512xf32> to vector<1x512xf32>
    %div3A = vector.broadcast %broadcast_in_dim3A_1050 : vector<1x512xf32> to vector<16x512xf32>
    %div3A_1051 = arith.divf %exp3A_1048, %div3A : vector<16x512xf32>
    %broadcast_in_dim3A_1052 = arith.constant 0.000000e+00 : f32
    %broadcast_in_dim3A_1053 = vector.broadcast %broadcast_in_dim3A_1052 : f32 to vector<64x512xf32>
    %slice3A = vector.extract_strided_slice %div3A_1051 {offsets = [0, 0], sizes = [1, 512], strides = [1, 1]} : vector<16x512xf32> to vector<1x512xf32>
    %get3A_1054 = arith.constant 0 : index
    %get3A_1055 = arith.constant 0 : index
    %get3A_1056 = vector.load %arg13[%get3A_1054, %get3A_1055] : memref<64x8192xf32, #tpu.memory_space<vmem>>, vector<64x512xf32>
    %mul3A_1057 = vector.broadcast %slice3A : vector<1x512xf32> to vector<64x512xf32>
    %mul3A_1058 = arith.mulf %mul3A_1057, %get3A_1056 : vector<64x512xf32>
    %add3A_1059 = arith.addf %broadcast_in_dim3A_1053, %mul3A_1058 : vector<64x512xf32>
    %slice3A_1060 = vector.extract_strided_slice %div3A_1051 {offsets = [1, 0], sizes = [1, 512], strides = [1, 1]} : vector<16x512xf32> to vector<1x512xf32>
    %get3A_1061 = arith.constant 0 : index
    %get3A_1062 = arith.constant 512 : index
    %get3A_1063 = vector.load %arg13[%get3A_1061, %get3A_1062] : memref<64x8192xf32, #tpu.memory_space<vmem>>, vector<64x512xf32>
    %mul3A_1064 = vector.broadcast %slice3A_1060 : vector<1x512xf32> to vector<64x512xf32>
    %mul3A_1065 = arith.mulf %mul3A_1064, %get3A_1063 : vector<64x512xf32>
    %add3A_1066 = arith.addf %add3A_1059, %mul3A_1065 : vector<64x512xf32>
    %slice3A_1067 = vector.extract_strided_slice %div3A_1051 {offsets = [2, 0], sizes = [1, 512], strides = [1, 1]} : vector<16x512xf32> to vector<1x512xf32>
    %get3A_1068 = arith.constant 0 : index
    %get3A_1069 = arith.constant 1024 : index
    %get3A_1070 = vector.load %arg13[%get3A_1068, %get3A_1069] : memref<64x8192xf32, #tpu.memory_space<vmem>>, vector<64x512xf32>
    %mul3A_1071 = vector.broadcast %slice3A_1067 : vector<1x512xf32> to vector<64x512xf32>
    %mul3A_1072 = arith.mulf %mul3A_1071, %get3A_1070 : vector<64x512xf32>
    %add3A_1073 = arith.addf %add3A_1066, %mul3A_1072 : vector<64x512xf32>
    %slice3A_1074 = vector.extract_strided_slice %div3A_1051 {offsets = [3, 0], sizes = [1, 512], strides = [1, 1]} : vector<16x512xf32> to vector<1x512xf32>
    %get3A_1075 = arith.constant 0 : index
    %get3A_1076 = arith.constant 1536 : index
    %get3A_1077 = vector.load %arg13[%get3A_1075, %get3A_1076] : memref<64x8192xf32, #tpu.memory_space<vmem>>, vector<64x512xf32>
    %mul3A_1078 = vector.broadcast %slice3A_1074 : vector<1x512xf32> to vector<64x512xf32>
    %mul3A_1079 = arith.mulf %mul3A_1078, %get3A_1077 : vector<64x512xf32>
    %add3A_1080 = arith.addf %add3A_1073, %mul3A_1079 : vector<64x512xf32>
    %slice3A_1081 = vector.extract_strided_slice %div3A_1051 {offsets = [4, 0], sizes = [1, 512], strides = [1, 1]} : vector<16x512xf32> to vector<1x512xf32>
    %get3A_1082 = arith.constant 0 : index
    %get3A_1083 = arith.constant 2048 : index
    %get3A_1084 = vector.load %arg13[%get3A_1082, %get3A_1083] : memref<64x8192xf32, #tpu.memory_space<vmem>>, vector<64x512xf32>
    %mul3A_1085 = vector.broadcast %slice3A_1081 : vector<1x512xf32> to vector<64x512xf32>
    %mul3A_1086 = arith.mulf %mul3A_1085, %get3A_1084 : vector<64x512xf32>
    %add3A_1087 = arith.addf %add3A_1080, %mul3A_1086 : vector<64x512xf32>
    %slice3A_1088 = vector.extract_strided_slice %div3A_1051 {offsets = [5, 0], sizes = [1, 512], strides = [1, 1]} : vector<16x512xf32> to vector<1x512xf32>
    %get3A_1089 = arith.constant 0 : index
    %get3A_1090 = arith.constant 2560 : index
    %get3A_1091 = vector.load %arg13[%get3A_1089, %get3A_1090] : memref<64x8192xf32, #tpu.memory_space<vmem>>, vector<64x512xf32>
    %mul3A_1092 = vector.broadcast %slice3A_1088 : vector<1x512xf32> to vector<64x512xf32>
    %mul3A_1093 = arith.mulf %mul3A_1092, %get3A_1091 : vector<64x512xf32>
    %add3A_1094 = arith.addf %add3A_1087, %mul3A_1093 : vector<64x512xf32>
    %slice3A_1095 = vector.extract_strided_slice %div3A_1051 {offsets = [6, 0], sizes = [1, 512], strides = [1, 1]} : vector<16x512xf32> to vector<1x512xf32>
    %get3A_1096 = arith.constant 0 : index
    %get3A_1097 = arith.constant 3072 : index
    %get3A_1098 = vector.load %arg13[%get3A_1096, %get3A_1097] : memref<64x8192xf32, #tpu.memory_space<vmem>>, vector<64x512xf32>
    %mul3A_1099 = vector.broadcast %slice3A_1095 : vector<1x512xf32> to vector<64x512xf32>
    %mul3A_1100 = arith.mulf %mul3A_1099, %get3A_1098 : vector<64x512xf32>
    %add3A_1101 = arith.addf %add3A_1094, %mul3A_1100 : vector<64x512xf32>
    %slice3A_1102 = vector.extract_strided_slice %div3A_1051 {offsets = [7, 0], sizes = [1, 512], strides = [1, 1]} : vector<16x512xf32> to vector<1x512xf32>
    %get3A_1103 = arith.constant 0 : index
    %get3A_1104 = arith.constant 3584 : index
    %get3A_1105 = vector.load %arg13[%get3A_1103, %get3A_1104] : memref<64x8192xf32, #tpu.memory_space<vmem>>, vector<64x512xf32>
    %mul3A_1106 = vector.broadcast %slice3A_1102 : vector<1x512xf32> to vector<64x512xf32>
    %mul3A_1107 = arith.mulf %mul3A_1106, %get3A_1105 : vector<64x512xf32>
    %add3A_1108 = arith.addf %add3A_1101, %mul3A_1107 : vector<64x512xf32>
    %slice3A_1109 = vector.extract_strided_slice %div3A_1051 {offsets = [8, 0], sizes = [1, 512], strides = [1, 1]} : vector<16x512xf32> to vector<1x512xf32>
    %get3A_1110 = arith.constant 0 : index
    %get3A_1111 = arith.constant 4096 : index
    %get3A_1112 = vector.load %arg13[%get3A_1110, %get3A_1111] : memref<64x8192xf32, #tpu.memory_space<vmem>>, vector<64x512xf32>
    %mul3A_1113 = vector.broadcast %slice3A_1109 : vector<1x512xf32> to vector<64x512xf32>
    %mul3A_1114 = arith.mulf %mul3A_1113, %get3A_1112 : vector<64x512xf32>
    %add3A_1115 = arith.addf %add3A_1108, %mul3A_1114 : vector<64x512xf32>
    %slice3A_1116 = vector.extract_strided_slice %div3A_1051 {offsets = [9, 0], sizes = [1, 512], strides = [1, 1]} : vector<16x512xf32> to vector<1x512xf32>
    %get3A_1117 = arith.constant 0 : index
    %get3A_1118 = arith.constant 4608 : index
    %get3A_1119 = vector.load %arg13[%get3A_1117, %get3A_1118] : memref<64x8192xf32, #tpu.memory_space<vmem>>, vector<64x512xf32>
    %mul3A_1120 = vector.broadcast %slice3A_1116 : vector<1x512xf32> to vector<64x512xf32>
    %mul3A_1121 = arith.mulf %mul3A_1120, %get3A_1119 : vector<64x512xf32>
    %add3A_1122 = arith.addf %add3A_1115, %mul3A_1121 : vector<64x512xf32>
    %slice3A_1123 = vector.extract_strided_slice %div3A_1051 {offsets = [10, 0], sizes = [1, 512], strides = [1, 1]} : vector<16x512xf32> to vector<1x512xf32>
    %get3A_1124 = arith.constant 0 : index
    %get3A_1125 = arith.constant 5120 : index
    %get3A_1126 = vector.load %arg13[%get3A_1124, %get3A_1125] : memref<64x8192xf32, #tpu.memory_space<vmem>>, vector<64x512xf32>
    %mul3A_1127 = vector.broadcast %slice3A_1123 : vector<1x512xf32> to vector<64x512xf32>
    %mul3A_1128 = arith.mulf %mul3A_1127, %get3A_1126 : vector<64x512xf32>
    %add3A_1129 = arith.addf %add3A_1122, %mul3A_1128 : vector<64x512xf32>
    %slice3A_1130 = vector.extract_strided_slice %div3A_1051 {offsets = [11, 0], sizes = [1, 512], strides = [1, 1]} : vector<16x512xf32> to vector<1x512xf32>
    %get3A_1131 = arith.constant 0 : index
    %get3A_1132 = arith.constant 5632 : index
    %get3A_1133 = vector.load %arg13[%get3A_1131, %get3A_1132] : memref<64x8192xf32, #tpu.memory_space<vmem>>, vector<64x512xf32>
    %mul3A_1134 = vector.broadcast %slice3A_1130 : vector<1x512xf32> to vector<64x512xf32>
    %mul3A_1135 = arith.mulf %mul3A_1134, %get3A_1133 : vector<64x512xf32>
    %add3A_1136 = arith.addf %add3A_1129, %mul3A_1135 : vector<64x512xf32>
    %slice3A_1137 = vector.extract_strided_slice %div3A_1051 {offsets = [12, 0], sizes = [1, 512], strides = [1, 1]} : vector<16x512xf32> to vector<1x512xf32>
    %get3A_1138 = arith.constant 0 : index
    %get3A_1139 = arith.constant 6144 : index
    %get3A_1140 = vector.load %arg13[%get3A_1138, %get3A_1139] : memref<64x8192xf32, #tpu.memory_space<vmem>>, vector<64x512xf32>
    %mul3A_1141 = vector.broadcast %slice3A_1137 : vector<1x512xf32> to vector<64x512xf32>
    %mul3A_1142 = arith.mulf %mul3A_1141, %get3A_1140 : vector<64x512xf32>
    %add3A_1143 = arith.addf %add3A_1136, %mul3A_1142 : vector<64x512xf32>
    %slice3A_1144 = vector.extract_strided_slice %div3A_1051 {offsets = [13, 0], sizes = [1, 512], strides = [1, 1]} : vector<16x512xf32> to vector<1x512xf32>
    %get3A_1145 = arith.constant 0 : index
    %get3A_1146 = arith.constant 6656 : index
    %get3A_1147 = vector.load %arg13[%get3A_1145, %get3A_1146] : memref<64x8192xf32, #tpu.memory_space<vmem>>, vector<64x512xf32>
    %mul3A_1148 = vector.broadcast %slice3A_1144 : vector<1x512xf32> to vector<64x512xf32>
    %mul3A_1149 = arith.mulf %mul3A_1148, %get3A_1147 : vector<64x512xf32>
    %add3A_1150 = arith.addf %add3A_1143, %mul3A_1149 : vector<64x512xf32>
    %slice3A_1151 = vector.extract_strided_slice %div3A_1051 {offsets = [14, 0], sizes = [1, 512], strides = [1, 1]} : vector<16x512xf32> to vector<1x512xf32>
    %get3A_1152 = arith.constant 0 : index
    %get3A_1153 = arith.constant 7168 : index
    %get3A_1154 = vector.load %arg13[%get3A_1152, %get3A_1153] : memref<64x8192xf32, #tpu.memory_space<vmem>>, vector<64x512xf32>
    %mul3A_1155 = vector.broadcast %slice3A_1151 : vector<1x512xf32> to vector<64x512xf32>
    %mul3A_1156 = arith.mulf %mul3A_1155, %get3A_1154 : vector<64x512xf32>
    %add3A_1157 = arith.addf %add3A_1150, %mul3A_1156 : vector<64x512xf32>
    %slice3A_1158 = vector.extract_strided_slice %div3A_1051 {offsets = [15, 0], sizes = [1, 512], strides = [1, 1]} : vector<16x512xf32> to vector<1x512xf32>
    %get3A_1159 = arith.constant 0 : index
    %get3A_1160 = arith.constant 7680 : index
    %get3A_1161 = vector.load %arg13[%get3A_1159, %get3A_1160] : memref<64x8192xf32, #tpu.memory_space<vmem>>, vector<64x512xf32>
    %mul3A_1162 = vector.broadcast %slice3A_1158 : vector<1x512xf32> to vector<64x512xf32>
    %mul3A_1163 = arith.mulf %mul3A_1162, %get3A_1161 : vector<64x512xf32>
    %add3A_1164 = arith.addf %add3A_1157, %mul3A_1163 : vector<64x512xf32>
    %get3A_1165 = arith.constant 0 : index
    %get3A_1166 = arith.constant 0 : index
    %get3A_1167 = vector.load %arg9[%get3A_1165, %get3A_1166] : memref<64x64xf32, #tpu.memory_space<vmem>>, vector<64x64xf32>
    %dot_general3A_1168 = arith.constant dense<0.000000e+00> : vector<64x512xf32>
    %dot_general3A_1169 = tpu.matmul %get3A_1167, %add3A_1164, %dot_general3A_1168 {dimension_numbers = #tpu.dot_dimension_numbers<[1], [0], [0], [1], [0, 0, 1, 1], [], []>, transpose_lhs_hint = false} : vector<64x64xf32>, vector<64x512xf32>, vector<64x512xf32> -> vector<64x512xf32>
    %mul3A_1170 = arith.constant 512 : i32
    %mul3A_1171 = arith.muli %arg0, %mul3A_1170 : i32
    %iota3A_1172 = tpu.iota {dimensions = array<i32: 1>} : vector<1x512xi32>
    %add3A_1173 = vector.broadcast %mul3A_1171 : i32 to vector<1x512xi32>
    %add3A_1174 = arith.addi %add3A_1173, %iota3A_1172 : vector<1x512xi32>
    %lt3A = arith.constant 50000 : i32
    %lt3A_1175 = vector.broadcast %lt3A : i32 to vector<1x512xi32>
    %lt3A_1176 = arith.cmpi slt, %add3A_1174, %lt3A_1175 : vector<1x512xi32>
    %convert_element_type3A_1177 = arith.extui %lt3A_1176 : vector<1x512xi1> to vector<1x512xi32>
    %convert_element_type3A_1178 = arith.sitofp %convert_element_type3A_1177 : vector<1x512xi32> to vector<1x512xf32>
    %mul3A_1179 = vector.broadcast %convert_element_type3A_1178 : vector<1x512xf32> to vector<64x512xf32>
    %mul3A_1180 = arith.mulf %dot_general3A_1169, %mul3A_1179 : vector<64x512xf32>
    %swap3A_1181 = arith.constant 0 : index
    %swap3A_1182 = arith.constant 0 : index
    %swap3A_1183 = vector.load %arg10[%swap3A_1181, %swap3A_1182] : memref<64x512xf32, #tpu.memory_space<vmem>>, vector<64x512xf32>
    tpu.vector_store %arg10[%swap3A_1181, %swap3A_1182], %mul3A_1180 {strides = array<i32>} : memref<64x512xf32, #tpu.memory_space<vmem>>, vector<64x512xf32>,
    %eq3A_1184 = arith.constant 0 : i32
    %eq3A_1185 = arith.cmpi eq, %arg0, %eq3A_1184 : i32
    %convert_element_type3A_1186 = arith.extui %eq3A_1185 : i1 to i32
    %cond3A = arith.constant 0 : i32
    %cond3A_1187 = arith.cmpi ne, %convert_element_type3A_1186, %cond3A : i32
    scf.if %cond3A_1187 {
      %broadcast_in_dim3A_1208 = arith.constant 0.000000e+00 : f32
      %broadcast_in_dim3A_1209 = vector.broadcast %broadcast_in_dim3A_1208 : f32 to vector<64x512xf32>
      %swap3A_1210 = arith.constant 0 : index
      %swap3A_1211 = arith.constant 0 : index
      %swap3A_1212 = vector.load %arg15[%swap3A_1210, %swap3A_1211] : memref<64x512xf32, #tpu.memory_space<vmem>>, vector<64x512xf32>
      tpu.vector_store %arg15[%swap3A_1210, %swap3A_1211], %broadcast_in_dim3A_1209 {strides = array<i32>} : memref<64x512xf32, #tpu.memory_space<vmem>>, vector<64x512xf32>,
      %broadcast_in_dim3A_1213 = arith.constant 0.000000e+00 : f32
      %broadcast_in_dim3A_1214 = vector.broadcast %broadcast_in_dim3A_1213 : f32 to vector<64x512xf32>
      %swap3A_1215 = arith.constant 0 : index
      %swap3A_1216 = arith.constant 0 : index
      %swap3A_1217 = vector.load %arg16[%swap3A_1215, %swap3A_1216] : memref<64x512xf32, #tpu.memory_space<vmem>>, vector<64x512xf32>
      tpu.vector_store %arg16[%swap3A_1215, %swap3A_1216], %broadcast_in_dim3A_1214 {strides = array<i32>} : memref<64x512xf32, #tpu.memory_space<vmem>>, vector<64x512xf32>,
    } else {
    }
    %get3A_1188 = arith.constant 0 : index
    %get3A_1189 = arith.constant 0 : index
    %get3A_1190 = vector.load %arg15[%get3A_1188, %get3A_1189] : memref<64x512xf32, #tpu.memory_space<vmem>>, vector<64x512xf32>
    %add3A_1191 = arith.addf %get3A_1190, %mul3A_1180 : vector<64x512xf32>
    %swap3A_1192 = arith.constant 0 : index
    %swap3A_1193 = arith.constant 0 : index
    %swap3A_1194 = vector.load %arg15[%swap3A_1192, %swap3A_1193] : memref<64x512xf32, #tpu.memory_space<vmem>>, vector<64x512xf32>
    tpu.vector_store %arg15[%swap3A_1192, %swap3A_1193], %add3A_1191 {strides = array<i32>} : memref<64x512xf32, #tpu.memory_space<vmem>>, vector<64x512xf32>,
    %get3A_1195 = arith.constant 0 : index
    %get3A_1196 = arith.constant 0 : index
    %get3A_1197 = vector.load %arg16[%get3A_1195, %get3A_1196] : memref<64x512xf32, #tpu.memory_space<vmem>>, vector<64x512xf32>
    %mul3A_1198 = arith.mulf %mul3A_1180, %mul3A_1180 : vector<64x512xf32>
    %add3A_1199 = arith.addf %get3A_1197, %mul3A_1198 : vector<64x512xf32>
    %swap3A_1200 = arith.constant 0 : index
    %swap3A_1201 = arith.constant 0 : index
    %swap3A_1202 = vector.load %arg16[%swap3A_1200, %swap3A_1201] : memref<64x512xf32, #tpu.memory_space<vmem>>, vector<64x512xf32>
    tpu.vector_store %arg16[%swap3A_1200, %swap3A_1201], %add3A_1199 {strides = array<i32>} : memref<64x512xf32, #tpu.memory_space<vmem>>, vector<64x512xf32>,
    %eq3A_1203 = arith.constant 103 : i32
    %eq3A_1204 = arith.cmpi eq, %arg0, %eq3A_1203 : i32
    %convert_element_type3A_1205 = arith.extui %eq3A_1204 : i1 to i32
    %cond3A_1206 = arith.constant 0 : i32
    %cond3A_1207 = arith.cmpi ne, %convert_element_type3A_1205, %cond3A_1206 : i32
    scf.if %cond3A_1207 {
      %get3A_1208 = arith.constant 0 : index
      %get3A_1209 = arith.constant 0 : index
      %get3A_1210 = vector.load %arg15[%get3A_1208, %get3A_1209] : memref<64x512xf32, #tpu.memory_space<vmem>>, vector<64x512xf32>
      %reduce_sum3A_1211 = arith.constant dense<0.000000e+00> : vector<64xf32>
      %reduce_sum3A_1212 = vector.multi_reduction <add>, %get3A_1210, %reduce_sum3A_1211 [1] : vector<64x512xf32> to vector<64xf32>
      %broadcast_in_dim3A_1213 = vector.shape_cast %reduce_sum3A_1212 : vector<64xf32> to vector<64x1xf32>
      %broadcast_in_dim3A_1214 = vector.shape_cast %broadcast_in_dim3A_1213 : vector<64x1xf32> to vector<64x1xf32>
      %broadcast_in_dim3A_1215 = vector.broadcast %broadcast_in_dim3A_1214 : vector<64x1xf32> to vector<64x128xf32>
      %swap3A_1216 = arith.constant 0 : index
      %swap3A_1217 = arith.constant 0 : index
      %swap3A_1218 = vector.load %arg11[%swap3A_1216, %swap3A_1217] : memref<64x128xf32, #tpu.memory_space<vmem>>, vector<64x128xf32>
      tpu.vector_store %arg11[%swap3A_1216, %swap3A_1217], %broadcast_in_dim3A_1215 {strides = array<i32>} : memref<64x128xf32, #tpu.memory_space<vmem>>, vector<64x128xf32>,
      %get3A_1219 = arith.constant 0 : index
      %get3A_1220 = arith.constant 0 : index
      %get3A_1221 = vector.load %arg16[%get3A_1219, %get3A_1220] : memref<64x512xf32, #tpu.memory_space<vmem>>, vector<64x512xf32>
      %reduce_sum3A_1222 = arith.constant dense<0.000000e+00> : vector<64xf32>
      %reduce_sum3A_1223 = vector.multi_reduction <add>, %get3A_1221, %reduce_sum3A_1222 [1] : vector<64x512xf32> to vector<64xf32>
      %broadcast_in_dim3A_1224 = vector.shape_cast %reduce_sum3A_1223 : vector<64xf32> to vector<64x1xf32>
      %broadcast_in_dim3A_1225 = vector.shape_cast %broadcast_in_dim3A_1224 : vector<64x1xf32> to vector<64x1xf32>
      %broadcast_in_dim3A_1226 = vector.broadcast %broadcast_in_dim3A_1225 : vector<64x1xf32> to vector<64x128xf32>
      %swap3A_1227 = arith.constant 0 : index
      %swap3A_1228 = arith.constant 0 : index
      %swap3A_1229 = vector.load %arg12[%swap3A_1227, %swap3A_1228] : memref<64x128xf32, #tpu.memory_space<vmem>>, vector<64x128xf32>
      tpu.vector_store %arg12[%swap3A_1227, %swap3A_1228], %broadcast_in_dim3A_1226 {strides = array<i32>} : memref<64x128xf32, #tpu.memory_space<vmem>>, vector<64x128xf32>,
    } else {
    }
    return
  }
  func.func @transform_0(%arg0: i32) -> (i32, i32, i32) {
    %c0_i32 = arith.constant 0 : i32
    %c0_i32_0 = arith.constant 0 : i32
    %c0_i32_1 = arith.constant 0 : i32
    return %c0_i32, %c0_i32_0, %arg0 : i32, i32, i32
  }
  func.func @transform_1(%arg0: i32) -> (i32, i32) {
    %c0_i32 = arith.constant 0 : i32
    %c0_i32_0 = arith.constant 0 : i32
    return %c0_i32, %arg0 : i32, i32
  }
  func.func @transform_2(%arg0: i32) -> (i32, i32) {
    %c0_i32 = arith.constant 0 : i32
    %c0_i32_0 = arith.constant 0 : i32
    %c0_i32_1 = arith.constant 0 : i32
    return %c0_i32, %c0_i32_0 : i32, i32
  }
  func.func @transform_3(%arg0: i32) -> (i32, i32) {
    %c0_i32 = arith.constant 0 : i32
    %c0_i32_0 = arith.constant 0 : i32
    %c0_i32_1 = arith.constant 0 : i32
    return %c0_i32, %c0_i32_0 : i32, i32
  }
  func.func @transform_4(%arg0: i32) -> (i32, i32) {
    %c0_i32 = arith.constant 0 : i32
    %c0_i32_0 = arith.constant 0 : i32
    %c0_i32_1 = arith.constant 0 : i32
    return %c0_i32, %c0_i32_0 : i32, i32
  }
  func.func @transform_5(%arg0: i32) -> (i32, i32) {
    %c0_i32 = arith.constant 0 : i32
    %c0_i32_0 = arith.constant 0 : i32
    %c0_i32_1 = arith.constant 0 : i32
    return %c0_i32, %c0_i32_0 : i32, i32
  }
  func.func @transform_6(%arg0: i32) -> (i32, i32) {
    %c0_i32 = arith.constant 0 : i32
    %c0_i32_0 = arith.constant 0 : i32
    %c0_i32_1 = arith.constant 0 : i32
    return %c0_i32, %c0_i32_0 : i32, i32
  }
  func.func @transform_7(%arg0: i32) -> (i32, i32) {
    %c0_i32 = arith.constant 0 : i32
    %c0_i32_0 = arith.constant 0 : i32
    %c0_i32_1 = arith.constant 0 : i32
    return %c0_i32, %c0_i32_0 : i32, i32
  }
  func.func @transform_8(%arg0: i32) -> (i32, i32) {
    %c0_i32 = arith.constant 0 : i32
    %c0_i32_0 = arith.constant 0 : i32
    %c0_i32_1 = arith.constant 0 : i32
    return %c0_i32, %c0_i32_0 : i32, i32
  }
  func.func @transform_9(%arg0: i32) -> (i32, i32) {
    %c0_i32 = arith.constant 0 : i32
    %c0_i32_0 = arith.constant 0 : i32
    return %c0_i32, %arg0 : i32, i32
  }
  func.func @transform_10(%arg0: i32) -> (i32, i32) {
    %c0_i32 = arith.constant 0 : i32
    %c0_i32_0 = arith.constant 0 : i32
    %c0_i32_1 = arith.constant 0 : i32
    return %c0_i32, %c0_i32_0 : i32, i32
  }
  func.func @transform_11(%arg0: i32) -> (i32, i32) {
    %c0_i32 = arith.constant 0 : i32
    %c0_i32_0 = arith.constant 0 : i32
    %c0_i32_1 = arith.constant 0 : i32
    return %c0_i32, %c0_i32_0 : i32, i32
  }
}

module attributes {stable_mosaic.version = 14 : i64} {
  func.func @_tc2_bn_body(%arg0: i32, %arg1: memref<64x512xf32, #tpu.memory_space<vmem>>, %arg2: memref<64x128xf32, #tpu.memory_space<vmem>>, %arg3: memref<64x128xf32, #tpu.memory_space<vmem>>, %arg4: memref<64x1xf32, #tpu.memory_space<vmem>>, %arg5: memref<64x1xf32, #tpu.memory_space<vmem>>, %arg6: memref<512x64xf32, #tpu.memory_space<vmem>>) attributes {dimension_semantics = [#tpu.dimension_semantics<arbitrary>], iteration_bounds = array<i64: 104>, scalar_prefetch = 0 : i64, scratch_operands = 0 : i64, tpu.core_type = #tpu.core_type<tc>, window_params = [{transform_indices = @transform_0, window_bounds = array<i64: 64, 512>}, {pipeline_mode = #tpu.pipeline_mode<synchronous>, transform_indices = @transform_1, window_bounds = array<i64: 64, 128>}, {pipeline_mode = #tpu.pipeline_mode<synchronous>, transform_indices = @transform_2, window_bounds = array<i64: 64, 128>}, {pipeline_mode = #tpu.pipeline_mode<synchronous>, transform_indices = @transform_3, window_bounds = array<i64: 64, 1>}, {pipeline_mode = #tpu.pipeline_mode<synchronous>, transform_indices = @transform_4, window_bounds = array<i64: 64, 1>}, {transform_indices = @transform_5, window_bounds = array<i64: 512, 64>}]} {
    %get3A = arith.constant 0 : index
    %get3A_0 = arith.constant 0 : index
    %get3A_1 = vector.load %arg2[%get3A, %get3A_0] : memref<64x128xf32, #tpu.memory_space<vmem>>, vector<64x1xf32>
    %div3A = arith.constant 5.000000e+04 : f32
    %div3A_2 = vector.broadcast %div3A : f32 to vector<64x1xf32>
    %div3A_3 = arith.divf %get3A_1, %div3A_2 : vector<64x1xf32>
    %get3A_4 = arith.constant 0 : index
    %get3A_5 = arith.constant 0 : index
    %get3A_6 = vector.load %arg3[%get3A_4, %get3A_5] : memref<64x128xf32, #tpu.memory_space<vmem>>, vector<64x1xf32>
    %div3A_7 = arith.constant 5.000000e+04 : f32
    %div3A_8 = vector.broadcast %div3A_7 : f32 to vector<64x1xf32>
    %div3A_9 = arith.divf %get3A_6, %div3A_8 : vector<64x1xf32>
    %mul3A = arith.mulf %div3A_3, %div3A_3 : vector<64x1xf32>
    %sub3A = arith.subf %div3A_9, %mul3A : vector<64x1xf32>
    %add3A = arith.constant 9.99999974E-6 : f32
    %add3A_10 = vector.broadcast %add3A : f32 to vector<64x1xf32>
    %add3A_11 = arith.addf %sub3A, %add3A_10 : vector<64x1xf32>
    %rsqrt3A = math.rsqrt %add3A_11 : vector<64x1xf32>
    %get3A_12 = arith.constant 0 : index
    %get3A_13 = arith.constant 0 : index
    %get3A_14 = vector.load %arg1[%get3A_12, %get3A_13] : memref<64x512xf32, #tpu.memory_space<vmem>>, vector<64x512xf32>
    %sub3A_15 = vector.broadcast %div3A_3 : vector<64x1xf32> to vector<64x512xf32>
    %sub3A_16 = arith.subf %get3A_14, %sub3A_15 : vector<64x512xf32>
    %mul3A_17 = vector.broadcast %rsqrt3A : vector<64x1xf32> to vector<64x512xf32>
    %mul3A_18 = arith.mulf %sub3A_16, %mul3A_17 : vector<64x512xf32>
    %get3A_19 = arith.constant 0 : index
    %get3A_20 = arith.constant 0 : index
    %get3A_21 = vector.load %arg4[%get3A_19, %get3A_20] : memref<64x1xf32, #tpu.memory_space<vmem>>, vector<64x1xf32>
    %mul3A_22 = vector.broadcast %get3A_21 : vector<64x1xf32> to vector<64x512xf32>
    %mul3A_23 = arith.mulf %mul3A_18, %mul3A_22 : vector<64x512xf32>
    %get3A_24 = arith.constant 0 : index
    %get3A_25 = arith.constant 0 : index
    %get3A_26 = vector.load %arg5[%get3A_24, %get3A_25] : memref<64x1xf32, #tpu.memory_space<vmem>>, vector<64x1xf32>
    %add3A_27 = vector.broadcast %get3A_26 : vector<64x1xf32> to vector<64x512xf32>
    %add3A_28 = arith.addf %mul3A_23, %add3A_27 : vector<64x512xf32>
    %max3A = arith.constant 0.000000e+00 : f32
    %max3A_29 = vector.broadcast %max3A : f32 to vector<64x512xf32>
    %max3A_30 = arith.maximumf %add3A_28, %max3A_29 : vector<64x512xf32>
    %transpose3A = tpu.transpose %max3A_30, [1, 0] : vector<64x512xf32> -> vector<512x64xf32>
    %swap3A = arith.constant 0 : index
    %swap3A_31 = arith.constant 0 : index
    %swap3A_32 = vector.load %arg6[%swap3A, %swap3A_31] : memref<512x64xf32, #tpu.memory_space<vmem>>, vector<512x64xf32>
    tpu.vector_store %arg6[%swap3A, %swap3A_31], %transpose3A {strides = array<i32>} : memref<512x64xf32, #tpu.memory_space<vmem>>, vector<512x64xf32>,
    return
  }
  func.func @transform_0(%arg0: i32) -> (i32, i32) {
    %c0_i32 = arith.constant 0 : i32
    %c0_i32_0 = arith.constant 0 : i32
    return %c0_i32, %arg0 : i32, i32
  }
  func.func @transform_1(%arg0: i32) -> (i32, i32) {
    %c0_i32 = arith.constant 0 : i32
    %c0_i32_0 = arith.constant 0 : i32
    %c0_i32_1 = arith.constant 0 : i32
    return %c0_i32, %c0_i32_0 : i32, i32
  }
  func.func @transform_2(%arg0: i32) -> (i32, i32) {
    %c0_i32 = arith.constant 0 : i32
    %c0_i32_0 = arith.constant 0 : i32
    %c0_i32_1 = arith.constant 0 : i32
    return %c0_i32, %c0_i32_0 : i32, i32
  }
  func.func @transform_3(%arg0: i32) -> (i32, i32) {
    %c0_i32 = arith.constant 0 : i32
    %c0_i32_0 = arith.constant 0 : i32
    %c0_i32_1 = arith.constant 0 : i32
    return %c0_i32, %c0_i32_0 : i32, i32
  }
  func.func @transform_4(%arg0: i32) -> (i32, i32) {
    %c0_i32 = arith.constant 0 : i32
    %c0_i32_0 = arith.constant 0 : i32
    %c0_i32_1 = arith.constant 0 : i32
    return %c0_i32, %c0_i32_0 : i32, i32
  }
  func.func @transform_5(%arg0: i32) -> (i32, i32) {
    %c0_i32 = arith.constant 0 : i32
    %c0_i32_0 = arith.constant 0 : i32
    return %arg0, %c0_i32 : i32, i32
  }
}

</mosaic_0001>

<sc_bundles>
// kernel: kernel.5.cloned.1.call-start
scs
__scs_entry_jumppad:
0x0: {  	(pc) =	sbr.rel $0x88, $3  }
0x1: {  	(tag) =	ssettag $0x0;
	lr =	simm.s32 $0x1  }
0x2: {  	[smem:$0x3F95] =	sst lr;
	_ =	strace $0xD0000000  }
0x3: {  	_ = 	snop  }
0x4: {  	_ = 	snop  }
0x5: {  	_ = 	snop  }
0x6: {  	_ = 	snop  }
0x7: {  	_ = 	snop  }
__scs_overlays_trampoline_lowered:
0x8: {  	[smem:$0x3FA4] =	sst s0  }
0x9: {  	[smem:$0x3FA5] =	sst s1  }
0xa: {  	[smem:$0x3FA6] =	sst s2  }
0xb: {  	[smem:$0x3FA7] =	sst s3  }
0xc: {  	[smem:$0x3FA8] =	sst s4  }
0xd: {  	[smem:$0x3FA9] =	sst s5  }
0xe: {  	[smem:$0x3FAA] =	sst s6  }
0xf: {  	[smem:$0x3FAB] =	sst s7  }
0x10: {  	[smem:$0x3FAC] =	sst s8  }
0x11: {  	[smem:$0x3FAD] =	sst s9;
	s0 =	simm.s32 @!p0 $0x0  }
0x12: {  	s1 =	sld [smem:$0x3F93];
	s0 =	simm.s32 @p0 $0x1  }
0x13: {  	[smem:$0x3FAE] =	sst s0;
	s0 =	simm.s32 @!p1 $0x0  }
0x14: {  	s2 =	sld [smem:$0x3F92];
	s0 =	simm.s32 @p1 $0x1  }
0x15: {  	[smem:$0x3FAF] =	sst s0;
	s0 =	simm.s32 @!p2 $0x0  }
0x16: {  	s3 =	sld [smem:$0x3FDB];
	s0 =	simm.s32 @p2 $0x1  }
0x17: {  	s4 =	simm.s32 $0x1BF5;
	[smem:$0x3FB1] =	sst s0  }
0x18: {  	s0 =	sld [smem:$0x3F94];
	_ =	swait.ge [sflag:s4], $0x0  }
0x19: {  	s7 =	sld [smem:$0x3F95]  }
0x1a: {  	s8 =	sadd.s32 $0xFFFFE003, lr  }
0x1b: {  	s9 =	sadd.s32 $0xFFFFFEF7, lr;
	s5 =	simm.s32 $0xFFFFFFFF;
	p2 =	slt.u32 s8, $0xFFFFF086  }
0x1c: {  	p1 =	slt.u32 s9, $0xF7A;
	s5 =	simm.s32 @!p2 $0x0  }
0x1d: {  	s5 =	simm.s32 @p1 $0x1;
	p0 =	seq.s32 s7, s2  }
0x1e: {  	s7 =	smul.u32 @!p0 $0xF7A, s2;
	p2 =	seq.s32 @!p0 s5, $0x0  }
0x1f: {  	s9 =	smul.u32 $0xF7A, s1;
	s8 =	simm.s32 @!p0 $0x1BF5;
	p2 =	por !p2, p0  }
0x20: {  	[sflag:s8] =	ssyncset.s32 @!p0 $0xFFFFF086;
	s6 =	sadd.s32 @!p0 s3, s7;
	s7 =	simm.s32 @!p0 $0x108  }
0x21: {  	s3 =	sadd.s32 s3, s9;
	s6 =	sadd.s32 @!p0 $0x88, s6;
	s7 =	simm.s32 @p2 $0x1082  }
0x22: {  	[simem:s7], [sflag:s8] =	dma.local @!p0 [hbm:s6], $0xF7A  }
0x23: {  	s9 =	sor.u32 $0xD0000000, s2;
	s6 =	simm.s32 $0x108;
	_ =	swait.ge @!p0 [sflag:s8], $0x0  }
0x24: {  	s3 =	sadd.s32 $0x88, s3;
	s6 =	simm.s32 @!p1 $0x1082;
	[sflag:s4] =	ssyncset.s32 $0xFFFFF086  }
0x25: {  	[simem:s6], [sflag:s4] =	dma.local [hbm:s3], $0xF7A  }
0x26: {  	[smem:$0x3F95] =	sst s1;
	(tag) =	ssettag s2;
	_ =	strace s9  }
0x27: {  	s1 =	sld [smem:$0x3FA5]  }
0x28: {  	s2 =	sld [smem:$0x3FA6]  }
0x29: {  	s4 =	sld [smem:$0x3FA8]  }
0x2a: {  	p0 =	seq.s32 s5, $0x0;
	s5 =	sld [smem:$0x3FA9]  }
0x2b: {  	s6 =	sld [smem:$0x3FAA]  }
0x2c: {  	s7 =	sld [smem:$0x3FAB]  }
0x2d: {  	s3 =	simm.s32 $0x108;
	s8 =	sld [smem:$0x3FAC]  }
0x2e: {  	s3 =	simm.s32 @!p0 $0x1082;
	s9 =	sld [smem:$0x3FAD]  }
0x2f: {  	lr =	sadd.s32 s0, s3;
	s0 =	sld [smem:$0x3FA4]  }
0x30: {  	s3 =	sld [smem:$0x3FA7]  }
0x31: {  	[smem:$0x3FB0] =	sst s10  }
0x32: {  	s10 =	sld [smem:$0x3FAE];
	_ =	sdelay $0x3  }
0x33: {  	p0 =	seq.s32 s10, $0x1;
	s10 =	sld [smem:$0x3FB0];
	_ =	sdelay $0x3  }
0x34: {  	[smem:$0x3FB0] =	sst s10  }
0x35: {  	s10 =	sld [smem:$0x3FAF];
	_ =	sdelay $0x3  }
0x36: {  	p1 =	seq.s32 s10, $0x1;
	s10 =	sld [smem:$0x3FB0];
	_ =	sdelay $0x3  }
0x37: {  	[smem:$0x3FB0] =	sst s10  }
0x38: {  	s10 =	sld [smem:$0x3FB1]  }
0x39: {  	_ = 	snop;
	(pc) =	sbr.ind lr, $3  }
0x3a: {  	_ = 	snop  }
0x3b: {  	_ = 	snop  }
0x3c: {  	p2 =	seq.s32 s10, $0x1;
	s10 =	sld [smem:$0x3FB0]  }
0x3d: {  	_ =	shalt  }
0x3e: {  	_ =	shalt  }
0x3f: {  	_ =	shalt  }
0x40: {  	_ =	shalt  }
0x41: {  	_ =	shalt  }
0x42: {  	_ =	shalt  }
0x43: {  	_ =	shalt  }
0x44: {  	_ =	shalt  }
0x45: {  	_ =	shalt  }
0x46: {  	_ =	shalt  }
0x47: {  	_ =	shalt  }
0x48: {  	_ =	shalt  }
0x49: {  	_ =	shalt  }
0x4a: {  	_ =	shalt  }
0x4b: {  	_ =	shalt  }
0x4c: {  	_ =	shalt  }
0x4d: {  	_ =	shalt  }
0x4e: {  	_ =	shalt  }
0x4f: {  	_ =	shalt  }
0x50: {  	_ =	shalt  }
0x51: {  	_ =	shalt  }
0x52: {  	_ =	shalt  }
0x53: {  	_ =	shalt  }
0x54: {  	_ =	shalt  }
0x55: {  	_ =	shalt  }
0x56: {  	_ =	shalt  }
0x57: {  	_ =	shalt  }
0x58: {  	_ =	shalt  }
0x59: {  	_ =	shalt  }
0x5a: {  	_ =	shalt  }
0x5b: {  	_ =	shalt  }
0x5c: {  	_ =	shalt  }
0x5d: {  	_ =	shalt  }
0x5e: {  	_ =	shalt  }
0x5f: {  	_ =	shalt  }
0x60: {  	_ =	shalt  }
0x61: {  	_ =	shalt  }
0x62: {  	_ =	shalt  }
0x63: {  	_ =	shalt  }
0x64: {  	_ =	shalt  }
0x65: {  	_ =	shalt  }
0x66: {  	_ =	shalt  }
0x67: {  	_ =	shalt  }
0x68: {  	_ =	shalt  }
0x69: {  	_ =	shalt  }
0x6a: {  	_ =	shalt  }
0x6b: {  	_ =	shalt  }
0x6c: {  	_ =	shalt  }
0x6d: {  	_ =	shalt  }
0x6e: {  	_ =	shalt  }
0x6f: {  	_ =	shalt  }
0x70: {  	_ =	shalt  }
0x71: {  	_ =	shalt  }
0x72: {  	_ =	shalt  }
0x73: {  	_ =	shalt  }
0x74: {  	_ =	shalt  }
0x75: {  	_ =	shalt  }
0x76: {  	_ =	shalt  }
0x77: {  	_ =	shalt  }
0x78: {  	_ =	shalt  }
0x79: {  	_ =	shalt  }
0x7a: {  	_ =	shalt  }
0x7b: {  	_ =	shalt  }
0x7c: {  	_ =	shalt  }
0x7d: {  	_ =	shalt  }
0x7e: {  	_ =	shalt  }
0x7f: {  	_ =	shalt  }
0x80: {  	_ =	shalt  }
0x81: {  	_ =	shalt  }
0x82: {  	_ =	shalt  }
0x83: {  	_ =	shalt  }
0x84: {  	_ =	shalt  }
0x85: {  	_ =	shalt  }
0x86: {  	_ =	shalt  }
0x87: {  	_ =	shalt  }
.Lfunc_end0:
.L_simem_size_0:
called_computation_lowered:
.L_overlay_start_0:
0x88: {  	s2 =	sld [smem:$0x3FD9]  }
0x89: {  	s3 =	sld [smem:$0x3FFE];
	_ =	sdelay $0x1  }
0x8a: {  	s1 =	srdreg.scid  }
0x8b: {  	s0 =	sand.u32 $0x1, s1  }
0x8c: {  	s17 =	sshll.u32 s0, $0xA;
	s2 =	sadd.s32 s3, s2  }
0x8d: {  	s2 =	sadd.s32 s2, s17  }
0x8e: {  	[smem:$0x3FBC] =	sst s2  }
0x8f: {  	_ = 	snop  }
0x90: {  	s2 =	sld [smem:$0x3FD0];
	(tm) =	ssettm $0x1  }
0x91: {  	s18 =	sld [smem:$0x3FFB];
	_ =	sdelay $0x3  }
0x92: {  	_ =	strace s18  }
0x93: {  	s3 =	sld [smem:$0x3FFC];
	_ =	sdelay $0x3  }
0x94: {  	_ =	strace s3  }
0x95: {  	s3 =	sld [smem:$0x3FFD];
	_ =	sdelay $0x3  }
0x96: {  	_ =	strace s3  }
0x97: {  	_ =	strace $0x8FFFFFFF  }
0x98: {  	s19 =	sld [smem:$0x3FDB];
	_ =	sdelay $0x1  }
0x99: {  	s4 =	simm.s32 $_scs_section_size  }
0x9a: {  	s5 =	simm.s32 $_size__tile_overlayer_lowered;
	s6 =	simm.s32 $_tile_overlayer_lowered  }
0x9b: {  	s22 =	simm.s32 $0x1BFF;
	s21 =	sshll.u32 s6, $0x1;
	s3 =	sadd.s32 s4, s19  }
0x9c: {  	s7 =	simm.s32 $0x0;
	s20 =	sshll.u32 s5, $0x1;
	s5 =	sadd.s32 s21, s3  }
0x9d: {  	[timem:s7], [sflag:s22] =	dma.local [hbm:s5], s20  }
0x9e: {  	_ =	swait.ge [sflag:s22], s20  }
0x9f: {  	s4 =	ssub.s32 $0x0, s20;
	[sflag:s22] =	ssyncset.done $0x0  }
0xa0: {  	[sflag:s22] =	ssyncadd.s32 s4;
	_ =	sdelay $0x1  }
0xa1: {  	s23 =	simm.s32 $0x1B8B  }
0xa2: {  	_ =	swait.ge [sflag:s23], $0x1  }
0xa3: {  	[sflag:s23] =	ssyncset.done $0x0  }
0xa4: {  	s25 =	simm.s32 $0x1B8E;
	s24 =	sld [smem:$0x3FFE];
	[sflag:s23] =	ssyncadd.s32 $0xFFFFFFFF  }
0xa5: {  	s26 =	simm.s32 $execute0_lowered;
	[smem:$0x3FD2] =	sst s25  }
0xa6: {  	s5 =	sshll.u32 s26, $0x1;
	_ =	strace $0x80000046;
	[dreg:$0x1] =	wrdreg $0xFFFFFFFF  }
0xa7: {  	s28 =	simm.s32 $_size_execute0_lowered;
	s3 =	sadd.s32 s3, s5;
	[dreg:$0x0] =	wrdreg $0x0  }
0xa8: {  	s5 =	sshll.u32 s28, $0x1;
	[dreg:$0x2] =	wrdreg s3  }
0xa9: {  	[dreg:$0x3] =	wrdreg s5  }
0xaa: {  	[dreg:$0x4] =	wrdreg $0xC0  }
0xab: {  	_ =	task [dreg:s7], $0x5FFFF  }
0xac: {  	[dreg:$0x1] =	wrdreg $0xFFFFFFFF  }
0xad: {  	[dreg:$0x0] =	wrdreg $0x60  }
0xae: {  	[dreg:$0x2] =	wrdreg s2  }
0xaf: {  	[dreg:$0x3] =	wrdreg s24  }
0xb0: {  	[dreg:$0x4] =	wrdreg $0x9  }
0xb1: {  	_ =	task.clear_ibuf [dreg:s7], $0x5FFFF;
	_ =	strace $0x90000046  }
0xb2: {  	s29 =	simm.s32 $0x9;
	_ =	strace $0x80000048  }
0xb3: {  	_ =	swait.ge [sflag:s29], $0x1  }
0xb4: {  	[sflag:s29] =	ssyncadd.s32 $0xFFFFFFFF  }
0xb5: {  	_ =	strace $0x90000048  }
0xb6: {  	_ =	sfence  }
0xb7: {  	s30 =	sld [smem:$0x0];
	_ =	sdelay $0x2  }
0xb8: {  	s31 =	sshll.u32 s1, $0xD;
	s1 =	sshrl.u32 s1, $0x2  }
0xb9: {  	s3 =	sand.u32 $0x4000, s31;
	s1 =	sadd.s32 s1, s30  }
0xba: {  	s0 =	sor.u32 s3, s0;
	s1 =	sshll.u32 s1, $0x11  }
0xbb: {  	s0 =	sor.u32 s1, s0  }
0xbc: {  	s0 =	sadd.s32 $0x8F2B, s0  }
0xbd: {  	[sflag:s0] =	ssyncadd.remote.s32 $0x1  }
0xbe: {  	_ =	sfence.sel $0xFFFF  }
0xbf: {  	[dreg:$0x0] =	wrdreg $0xFFFFFFFF;
	(pc) =	sbr.abs _section_cstart, $3  }
0xc0: {  	[dreg:$0x1] =	wrdreg $0xFFFFFFFF  }
0xc1: {  	_ =	task.clear_ibuf [dreg:s7], $0x2FFFF;
	_ =	strace $0x9FFFFFFF  }
0xc2: {  	(tm) =	ssettm $0x7FFFFFFF  }
0xc3: {  	_ =	shalt  }
tec
execute0_lowered:
.L_overlay_start_1:
0x0: {  	(tag) =	ssettag $0x1  }
0x1: {  	s1 =	rddreg [dreg:$0x0]  }
0x2: {  	s0 =	rddreg [dreg:$0x1];
	s2 =	srdreg.scid  }
0x3: {  	s3 =	simm.s32 $0x0;
	s4 =	stileid.u32;
	s9 =	simm.s32 $0x2  }
0x4: {  	s10 =	simm.s32 $0x80;
	s18 =	simm.s32 $0x280;
	s19 =	simm.s32 $0x2E80  }
0x5: {  	s20 =	simm.s32 $0x300;
	s21 =	simm.s32 $0x3680;
	s22 =	simm.s32 $0x380  }
0x6: {  	s23 =	simm.s32 $0x3E80;
	s24 =	simm.s32 $0x400;
	s25 =	simm.s32 $0x4680  }
0x7: {  	s28 =	simm.s32 $0x4E80;
	s29 =	simm.s32 $0x500;
	s30 =	simm.s32 $0x5680  }
0x8: {  	s31 =	simm.s32 $0x580;
	s11 =	simm.s32 $0x1;
	s13 =	simm.s32 $0x0  }
0x9: {  	s2 =	sand.u32 $0x1, s2;
	[smem:$0x7FF] =	sst s3;
	s4 =	sshll.u32 s4, $0x1  }
0xa: {  	s5 =	ssub.s32 $0x2, s2;
	_ =	strace $0x80000047;
	s2 =	sor.u32 s2, s4  }
0xb: {  	s4 =	sadd.s32 $0x3000, s0;
	s6 =	sshrl.u32 s5, $0x1;
	s7 =	smul.u32 $0x3400, s2  }
0xc: {  	s8 =	ssub.s32 s5, s6;
	s5 =	smul.u32 $0x680, s2;
	s6 =	sadd.s32 $0x1D000, s0  }
0xd: {  	s0 =	simm.s32 $0x5E80;
	s2 =	simm.s32 $0x600;
	s26 =	smax.u32 s8, $0x1  }
0xe: {  	s8 =	simm.s32 $0x6680;
	[dreg:$0x3] =	wrdreg s26;
	s26 =	simm.s32 $0x480  }
.LBB2_1:
0xf: {  	[dreg:$0x4] =	wrdreg s13;
	s12 =	simm.s32 $0x0  }
.LBB2_2:
0x10: {  	s13 =	smul.u32 $0xD000, s12;
	_ =	sdelay $0x1  }
0x11: {  	s13 =	sadd.s32 s5, s13  }
0x12: {  	s13 =	sshrl.u32 s13, $0x3  }
0x13: {  	s14 =	simm.s32 $0x0;
	s13 =	sadd.s32 s4, s13  }
0x14: {  	[tilespmem:s14], [sflag:$0x2] =	stream.linear.gather [hbm4b:s13+s14], $0x680, $0x38;
	[tilespmem:$0x6E80] =	vst v63  }
0x15: {  	_ =	swait.ge [sflag:s9], $0x680  }
0x16: {  	[sflag:s9] =	ssyncset.done $0x0  }
0x17: {  	s13 =	simm.s32 $0x680;
	[sflag:s9] =	ssyncadd.s32 $0xFFFFF980  }
0x18: {  	[tilespmem:s13], [sflag:$0x1] =	stream.indirect.gather [hbm4b:s1+s10], $0x10, s14, s10, $0xb8;
	[tilespmem:$0x6E80] =	vst v63  }
0x19: {  	s16 =	simm.s32 $0xE80  }
0x1a: {  	[tilespmem:s16], [sflag:$0x1] =	stream.indirect.gather [hbm4b:s1+s10], $0x10, s10, s10, $0xb8;
	[tilespmem:$0x6E80] =	vst v63  }
0x1b: {  	s17 =	simm.s32 $0x100;
	s15 =	simm.s32 $0x1680  }
0x1c: {  	[tilespmem:s15], [sflag:$0x1] =	stream.indirect.gather [hbm4b:s1+s10], $0x10, s17, s10, $0xb8;
	[tilespmem:$0x6E80] =	vst v63  }
0x1d: {  	s16 =	simm.s32 $0x180;
	s17 =	simm.s32 $0x1E80  }
0x1e: {  	[tilespmem:s17], [sflag:$0x1] =	stream.indirect.gather [hbm4b:s1+s10], $0x10, s16, s10, $0xb8;
	[tilespmem:$0x6E80] =	vst v63  }
0x1f: {  	s15 =	simm.s32 $0x200;
	s16 =	simm.s32 $0x2680  }
0x20: {  	[tilespmem:s16], [sflag:$0x1] =	stream.indirect.gather [hbm4b:s1+s10], $0x10, s15, s10, $0xb8;
	[tilespmem:$0x6E80] =	vst v63  }
0x21: {  	_ = 	snop  }
0x22: {  	[tilespmem:s19], [sflag:$0x1] =	stream.indirect.gather [hbm4b:s1+s10], $0x10, s18, s10, $0xb8;
	[tilespmem:$0x6E80] =	vst v63  }
0x23: {  	_ = 	snop  }
0x24: {  	[tilespmem:s21], [sflag:$0x1] =	stream.indirect.gather [hbm4b:s1+s10], $0x10, s20, s10, $0xb8;
	[tilespmem:$0x6E80] =	vst v63  }
0x25: {  	_ = 	snop  }
0x26: {  	[tilespmem:s23], [sflag:$0x1] =	stream.indirect.gather [hbm4b:s1+s10], $0x10, s22, s10, $0xb8;
	[tilespmem:$0x6E80] =	vst v63  }
0x27: {  	_ = 	snop  }
0x28: {  	[tilespmem:s25], [sflag:$0x1] =	stream.indirect.gather [hbm4b:s1+s10], $0x10, s24, s10, $0xb8;
	[tilespmem:$0x6E80] =	vst v63  }
0x29: {  	_ = 	snop  }
0x2a: {  	[tilespmem:s28], [sflag:$0x1] =	stream.indirect.gather [hbm4b:s1+s10], $0x10, s26, s10, $0xb8;
	[tilespmem:$0x6E80] =	vst v63  }
0x2b: {  	_ = 	snop  }
0x2c: {  	[tilespmem:s30], [sflag:$0x1] =	stream.indirect.gather [hbm4b:s1+s10], $0x10, s29, s10, $0xb8;
	[tilespmem:$0x6E80] =	vst v63  }
0x2d: {  	_ = 	snop  }
0x2e: {  	[tilespmem:s0], [sflag:$0x1] =	stream.indirect.gather [hbm4b:s1+s10], $0x10, s31, s10, $0xb8;
	[tilespmem:$0x6E80] =	vst v63  }
0x2f: {  	_ = 	snop  }
0x30: {  	[tilespmem:s8], [sflag:$0x1] =	stream.indirect.gather [hbm4b:s1+s10], $0x10, s2, s10, $0xb8;
	[tilespmem:$0x6E80] =	vst v63  }
0x31: {  	_ =	swait.ge [sflag:s11], $0x800  }
0x32: {  	[sflag:s11] =	ssyncset.done $0x0  }
0x33: {  	[sflag:s11] =	ssyncadd.s32 $0xFFFFF800  }
0x34: {  	_ =	swait.ge [sflag:s11], $0x800  }
0x35: {  	[sflag:s11] =	ssyncset.done $0x0  }
0x36: {  	[sflag:s11] =	ssyncadd.s32 $0xFFFFF800  }
0x37: {  	_ =	swait.ge [sflag:s11], $0x800  }
0x38: {  	[sflag:s11] =	ssyncset.done $0x0  }
0x39: {  	[sflag:s11] =	ssyncadd.s32 $0xFFFFF800  }
0x3a: {  	_ =	swait.ge [sflag:s11], $0x800  }
0x3b: {  	[sflag:s11] =	ssyncset.done $0x0  }
0x3c: {  	[sflag:s11] =	ssyncadd.s32 $0xFFFFF800  }
0x3d: {  	_ =	swait.ge [sflag:s11], $0x800  }
0x3e: {  	[sflag:s11] =	ssyncset.done $0x0  }
0x3f: {  	[sflag:s11] =	ssyncadd.s32 $0xFFFFF800  }
0x40: {  	_ =	swait.ge [sflag:s11], $0x800  }
0x41: {  	[sflag:s11] =	ssyncset.done $0x0  }
0x42: {  	[sflag:s11] =	ssyncadd.s32 $0xFFFFF800  }
0x43: {  	_ =	swait.ge [sflag:s11], $0x800  }
0x44: {  	[sflag:s11] =	ssyncset.done $0x0  }
0x45: {  	[sflag:s11] =	ssyncadd.s32 $0xFFFFF800  }
0x46: {  	_ =	swait.ge [sflag:s11], $0x800  }
0x47: {  	[sflag:s11] =	ssyncset.done $0x0  }
0x48: {  	[sflag:s11] =	ssyncadd.s32 $0xFFFFF800  }
0x49: {  	_ =	swait.ge [sflag:s11], $0x800  }
0x4a: {  	[sflag:s11] =	ssyncset.done $0x0  }
0x4b: {  	[sflag:s11] =	ssyncadd.s32 $0xFFFFF800  }
0x4c: {  	_ =	swait.ge [sflag:s11], $0x800  }
0x4d: {  	[sflag:s11] =	ssyncset.done $0x0  }
0x4e: {  	[sflag:s11] =	ssyncadd.s32 $0xFFFFF800  }
0x4f: {  	_ =	swait.ge [sflag:s11], $0x800  }
0x50: {  	[sflag:s11] =	ssyncset.done $0x0  }
0x51: {  	[sflag:s11] =	ssyncadd.s32 $0xFFFFF800  }
0x52: {  	s17 =	smul.u32 $0x68000, s12;
	_ =	swait.ge [sflag:s11], $0x800  }
0x53: {  	[sflag:s11] =	ssyncset.done $0x0  }
0x54: {  	s14 =	sadd.s32 s7, s17;
	[sflag:s11] =	ssyncadd.s32 $0xFFFFF800  }
0x55: {  	s14 =	sshrl.u32 s14, $0x3;
	_ =	swait.ge [sflag:s11], $0x800  }
0x56: {  	s15 =	simm.s32 $0x1;
	s14 =	sadd.s32 s6, s14;
	[sflag:s11] =	ssyncset.done $0x0  }
0x57: {  	s16 =	simm.s32 $0x690;
	s17 =	sadd.s32 $0x0, s14;
	[sflag:s11] =	ssyncadd.s32 $0xFFFFF800  }
.LBB2_3:
0x58: {  	[hbm4b:s17+s3] =	stream.linear.scatter [tilespmem:s13], [sflag:$0x2], $0x4, $0x38;
	[tilespmem:$0x6E80] =	vst v63  }
0x59: {  	s17 =	smov.u32 s15;
	s13 =	smov.u32 s16;
	p0 =	sne.s32 s15, $0x67F  }
.Ltmp0:
0x5a: {  	s15 =	sadd.s32 $0x1, s15;
	(pc) =	sbr.rel @p0 .LBB2_3-.Ltmp0, $2  }
0x5b: {  	_ =	sdelay $0x2  }
0x5c: {  	s16 =	sadd.s32 $0x10, s16;
	s17 =	sadd.s32 s17, s14  }
0x5d: {  	s12 =	sadd.s32 $0x1, s12  }
0x5e: {  	p0 =	sne.s32 s12, $0x10  }
.Ltmp1:
0x5f: {  	_ = 	snop;
	(pc) =	sbr.rel @p0 .LBB2_2-.Ltmp1, $4  }
0x60: {  	[hbm4b:s17+s3] =	stream.linear.scatter [tilespmem:s13], [sflag:$0x2], $0x4, $0x38;
	[tilespmem:$0x6E80] =	vst v63  }
0x61: {  	_ =	swait.ge [sflag:s9], $0x1A00  }
0x62: {  	[sflag:s9] =	ssyncset.done $0x0  }
0x63: {  	[sflag:s9] =	ssyncadd.s32 $0xFFFFE600  }
0x64: {  	s13 =	rddreg [dreg:$0x4]  }
0x65: {  	s12 =	rddreg [dreg:$0x3];
	s13 =	sadd.s32 $0x1, s13  }
0x66: {  	p0 =	sne.s32 s13, s12  }
.Ltmp2:
0x67: {  	_ = 	snop;
	(pc) =	sbr.rel @p0 .LBB2_1-.Ltmp2, $1  }
0x68: {  	_ =	sdelay $0x3  }
0x69: {  	_ =	sfence.sel $0x180000  }
0x6a: {  	[bflag:$0x0] =	sbarrier.arrive $0xFFFF  }
0x6b: {  	_ =	strace $0x90000047  }
0x6c: {  	s0 =	stileid.u32;
	[bflag:$0x2] =	sbarrier.arrive $0xFFFF  }
0x6d: {  	p0 =	sne.s32 s0, $0x0;
	s0 =	rddreg [dreg:$0x2]  }
0x6e: {  	s0 =	sadd.s32 @!p0 $0x100000, s0  }
0x6f: {  	[sflag:s0] =	ssyncadd.tile.s32 @!p0 $0x1;
	_ =	shalt  }
.Lfunc_end2:
_tile_overlayer_lowered:
.L_overlay_start_2:
0x70: {  	(tag) =	ssettag $0x2  }
0x71: {  	s0 =	rddreg [dreg:$0x0];
	s2 =	stileid.u32  }
0x72: {  	s1 =	rddreg [dreg:$0x1];
	p0 =	sne.s32 s2, $0x0  }
0x73: {  	s3 =	rddreg [dreg:$0x2];
	[bflag:$0x3] =	sbarrier.arrive $0xFFFF;
	s2 =	simm.s32 @!p0 $0x1C02  }
0x74: {  	[timem:s3], [sflag:s2] =	dma.local @!p0 [hbm:s0], s1  }
0x75: {  	s0 =	simm.s32 @!p0 $0x2  }
0x76: {  	_ =	swait.ge @!p0 [sflag:s0], s1  }
0x77: {  	s1 =	ssub.s32 @!p0 $0x0, s1;
	[sflag:s0] =	ssyncset.done @!p0 $0x0  }
0x78: {  	[sflag:s0] =	ssyncadd.s32 @!p0 s1  }
0x79: {  	[bflag:$0x3] =	sbarrier.arrive $0xFFFF  }
0x7a: {  	_ =	shalt  }

</sc_bundles>
